<compile_context>
chip_gen: v7x
topology: tpu7x:2x2x1
jax: 0.10.2.dev20260603
libtpu: 0.0.44.dev20260713+nightly
codegen_flags: <defaults>
</compile_context>

<pallas_src>
import jax
import jax.numpy as jnp
from jax import lax
from jax.experimental import pallas as pl
from jax.experimental.pallas import tpu as pltpu
from jax.experimental.pallas import tpu_sc as plsc

N = 10000
E = 320000
D = 128
DE = 16

NC = 2
NS = 16
NW = NC * NS
EPT = E // NW
B = 80
NB = EPT // B
BP = B + 1
NP = 10240
RPT = NP // NS



def _p12_body(x_ref, w1_ref, w2_ref, p1_ref, p2_ref):
    xb = x_ref[...]
    p1_ref[...] = jnp.dot(xb, w1_ref[...], preferred_element_type=jnp.float32)
    p2_ref[...] = jnp.dot(xb, w2_ref[...], preferred_element_type=jnp.float32)


def _qt_body(eat_ref, w3t_ref, bec_ref, qt_ref):
    qt_ref[...] = (
        jnp.dot(w3t_ref[...], eat_ref[...], preferred_element_type=jnp.float32)
        + bec_ref[...]
    )


def _node_body(a0_ref, a1_ref, x_ref, wn1_ref, wn2_ref, bn_ref, o_ref):
    agg = a0_ref[...] + a1_ref[...]
    o_ref[...] = (
        jnp.dot(agg, wn1_ref[...], preferred_element_type=jnp.float32)
        + jnp.dot(x_ref[...], wn2_ref[...], preferred_element_type=jnp.float32)
        + bn_ref[...]
    )



def _sc_body(p1_h, p2_h, qt_h, src_h, dst_h, zeros_h, ehT_h, agg_h,
             src_all, dst_all, r1, r2, qtb, ehb, ehTb, agg_s, s_gat, s_wr):
    cid = lax.axis_index("c")
    sid = lax.axis_index("s")
    wid = sid * NC + cid
    base = wid * EPT

    pltpu.sync_copy(zeros_h.at[pl.ds(sid * RPT, RPT)],
                    agg_s.at[pl.ds(sid * RPT, RPT)])

    pltpu.sync_copy(src_h.at[pl.ds(wid * NB, NB)], src_all)
    pltpu.sync_copy(dst_h.at[pl.ds(wid * NB, NB)], dst_all)

    iota = lax.iota(jnp.int32, 16)

    def gat_copies(j):
        g = base + j * B
        k = j % 2
        return (
            pltpu.make_async_copy(p1_h.at[src_all.at[j]], r1.at[k], s_gat),
            pltpu.make_async_copy(p2_h.at[dst_all.at[j]], r2.at[k], s_gat),
            pltpu.make_async_copy(qt_h.at[:, pl.ds(g, B)],
                                  qtb.at[k, :, pl.ds(0, B)], s_gat),
        )

    def ehT_copy(j):
        g = base + j * B
        k = j % 2
        return pltpu.make_async_copy(ehTb.at[k, :, pl.ds(0, B)],
                                     ehT_h.at[:, pl.ds(g, B)], s_wr)

    for c in gat_copies(0):
        c.start()
    for c in gat_copies(1):
        c.start()

    plsc.subcore_barrier()

    def block(j, carry):
        k = j % 2
        for c in gat_copies(j):
            c.wait()

        @pl.when(j >= 2)
        def _():
            ehT_copy(j - 2).wait()

        def row(i, c):
            col = jnp.full((16,), i, jnp.int32)
            qcol = plsc.load_gather(qtb.at[k], [iota, col])
            e = r1[k, i] + r2[k, i] + qcol
            ehb[i] = e
            plsc.store_scatter(ehTb.at[k], [iota, col], e)
            return c
        lax.fori_loop(0, B, row, 0, unroll=8)

        ehT_copy(j).start()

        @pl.when(j + 2 < NB)
        def _():
            for c in gat_copies(j + 2):
                c.start()

        pltpu.sync_copy(ehb, agg_s.at[dst_all.at[j]], add=True)
        return carry

    lax.fori_loop(0, NB, block, 0)

    ehT_copy(NB - 2).wait()
    ehT_copy(NB - 1).wait()

    plsc.subcore_barrier()
    pltpu.sync_copy(agg_s.at[pl.ds(sid * RPT, RPT)],
                    agg_h.at[cid, pl.ds(sid * RPT, RPT)])



@jax.jit
def kernel(x, edge_index, edge_attr, W_e, b_e, W_n, b_n):
    we1 = W_e[:D]
    we2 = W_e[D:2 * D]
    we3t = W_e[2 * D:].T

    nblk = 10
    nrows = N // nblk
    p1, p2 = pl.pallas_call(
        _p12_body,
        grid=(nblk,),
        in_specs=[
            pl.BlockSpec((nrows, D), lambda i: (i, 0)),
            pl.BlockSpec((D, DE), lambda i: (0, 0)),
            pl.BlockSpec((D, DE), lambda i: (0, 0)),
        ],
        out_specs=[
            pl.BlockSpec((nrows, DE), lambda i: (i, 0)),
            pl.BlockSpec((nrows, DE), lambda i: (i, 0)),
        ],
        out_shape=[
            jax.ShapeDtypeStruct((N, DE), jnp.float32),
            jax.ShapeDtypeStruct((N, DE), jnp.float32),
        ],
    )(x, we1, we2)

    eblk = 50
    ecols = E // eblk
    qt = pl.pallas_call(
        _qt_body,
        grid=(eblk,),
        in_specs=[
            pl.BlockSpec((DE, ecols), lambda i: (0, i)),
            pl.BlockSpec((DE, DE), lambda i: (0, 0)),
            pl.BlockSpec((DE, 1), lambda i: (0, 0)),
        ],
        out_specs=pl.BlockSpec((DE, ecols), lambda i: (0, i)),
        out_shape=jax.ShapeDtypeStruct((DE, E), jnp.float32),
    )(edge_attr.T, we3t, b_e.reshape(DE, 1))

    zeros = jnp.zeros((NP, DE), jnp.float32)
    mesh = plsc.VectorSubcoreMesh(core_axis_name="c", subcore_axis_name="s")
    sc = pl.kernel(
        _sc_body,
        out_type=[
            jax.ShapeDtypeStruct((DE, E), jnp.float32),
            jax.ShapeDtypeStruct((NC, NP, DE), jnp.float32),
        ],
        mesh=mesh,
        compiler_params=pltpu.CompilerParams(use_tc_tiling_on_sc=False,
                                             needs_layout_passes=False),
        scratch_types=[
            pltpu.VMEM((NB, B), jnp.int32),
            pltpu.VMEM((NB, B), jnp.int32),
            pltpu.VMEM((2, B, DE), jnp.float32),
            pltpu.VMEM((2, B, DE), jnp.float32),
            pltpu.VMEM((2, DE, BP), jnp.float32),
            pltpu.VMEM((B, DE), jnp.float32),
            pltpu.VMEM((2, DE, BP), jnp.float32),
            pltpu.VMEM_SHARED((NP, DE), jnp.float32),
            pltpu.SemaphoreType.DMA,
            pltpu.SemaphoreType.DMA,
        ],
    )
    ehT, agg2 = sc(p1, p2, qt,
                   edge_index[0].reshape(E // B, B),
                   edge_index[1].reshape(E // B, B), zeros)

    wn1 = W_n[:DE]
    wn2 = W_n[DE:]
    new_x = pl.pallas_call(
        _node_body,
        grid=(nblk,),
        in_specs=[
            pl.BlockSpec((nrows, DE), lambda i: (i, 0)),
            pl.BlockSpec((nrows, DE), lambda i: (i, 0)),
            pl.BlockSpec((nrows, D), lambda i: (i, 0)),
            pl.BlockSpec((DE, D), lambda i: (0, 0)),
            pl.BlockSpec((D, D), lambda i: (0, 0)),
            pl.BlockSpec((1, D), lambda i: (0, 0)),
        ],
        out_specs=pl.BlockSpec((nrows, D), lambda i: (i, 0)),
        out_shape=jax.ShapeDtypeStruct((N, D), jnp.float32),
    )(agg2[0], agg2[1], x, wn1, wn2, b_n.reshape(1, D))

    return new_x, ehT.T

# --- scband reference (transcript-rebuilt; emitter-appended) ---
"""Pipeline reference for scband-graph-layer-30605936951829 (READ-ONLY COPY).

The authoritative reference and input builder live on the scoring server;
editing this copy changes nothing except your own understanding.
"""

import jax, jax.numpy as jnp
import numpy as np

N_NODES = 10000
N_EDGES = 320000
D_FEAT = 128
D_EDGE = 16


def setup_inputs(seed: int = 0) -> dict:
    key = jax.random.key(seed)
    ks = jax.random.split(key, 8)
    x = jax.random.normal(ks[0], (N_NODES, D_FEAT), dtype=jnp.float32)
    edge_index = jax.random.randint(ks[1], (2, N_EDGES), 0, N_NODES, dtype=jnp.int32)
    edge_attr = jax.random.normal(ks[2], (N_EDGES, D_EDGE), dtype=jnp.float32)
    # edge_model: Linear(2*D_FEAT + D_EDGE -> D_EDGE)
    W_e = jax.random.normal(ks[3], (2 * D_FEAT + D_EDGE, D_EDGE), dtype=jnp.float32) * 0.05
    b_e = jnp.zeros((D_EDGE,), dtype=jnp.float32)
    # node_model: Linear(D_EDGE + D_FEAT -> D_FEAT)
    W_n = jax.random.normal(ks[4], (D_EDGE + D_FEAT, D_FEAT), dtype=jnp.float32) * 0.05
    b_n = jnp.zeros((D_FEAT,), dtype=jnp.float32)
    return {"x": x, "edge_index": edge_index, "edge_attr": edge_attr,
            "W_e": W_e, "b_e": b_e, "W_n": W_n, "b_n": b_n}


def reference(x, edge_index, edge_attr, W_e, b_e, W_n, b_n):
    src = edge_index[0]
    dst = edge_index[1]
    # apply_edges: edge_update -> edge_model(cat([h_src, h_dst, e_h]))
    nf_from = jnp.take(x, src, axis=0)
    nf_to = jnp.take(x, dst, axis=0)
    edge_input = jnp.concatenate([nf_from, nf_to, edge_attr], axis=-1)
    e_h = edge_input @ W_e + b_e
    # pull: copy_e('h','m') + sum('m','agg_m') -> scatter-add of edge feats to dst nodes
    agg_m = jax.ops.segment_sum(e_h, dst, num_segments=N_NODES)
    # apply_nodes: node_update -> node_model(cat([agg_m, h]))
    node_input = jnp.concatenate([agg_m, x], axis=-1)
    new_x = node_input @ W_n + b_n
    # graph carries updated ndata['h'] and edata['h']
    return new_x, e_h

if __name__ == "__main__":
    import jax
    _d = setup_inputs()
    print(jax.jit(kernel)(*tuple(_d.values())))

</pallas_src>

<mosaic_0001>
#map = affine_map<(d0, d1) -> (0, 0)>
#map1 = affine_map<(d0, d1) -> (0, 0, 0)>
module attributes {stable_mosaic.version = 14 : i64} {
  func.func @_sc_body(%arg0: i32, %arg1: i32, %arg2: memref<10000x16xf32, #tpu.memory_space<hbm>>, %arg3: memref<10000x16xf32, #tpu.memory_space<hbm>>, %arg4: memref<16x320000xf32, #tpu.memory_space<hbm>>, %arg5: memref<4000x80xi32, #tpu.memory_space<hbm>>, %arg6: memref<4000x80xi32, #tpu.memory_space<hbm>>, %arg7: memref<10240x16xf32, #tpu.memory_space<hbm>>, %arg8: memref<16x320000xf32, #tpu.memory_space<hbm>>, %arg9: memref<2x10240x16xf32, #tpu.memory_space<hbm>>, %arg10: memref<125x80xi32, #tpu.memory_space<vmem>>, %arg11: memref<125x80xi32, #tpu.memory_space<vmem>>, %arg12: memref<2x80x16xf32, #tpu.memory_space<vmem>>, %arg13: memref<2x80x16xf32, #tpu.memory_space<vmem>>, %arg14: memref<2x16x81xf32, #tpu.memory_space<vmem>>, %arg15: memref<80x16xf32, #tpu.memory_space<vmem>>, %arg16: memref<2x16x81xf32, #tpu.memory_space<vmem>>, %arg17: memref<10240x16xf32, #tpu.memory_space<vmem_shared>>, %arg18: memref<!tpu.dma_semaphore, #tpu.memory_space<semaphore_mem>>, %arg19: memref<!tpu.dma_semaphore, #tpu.memory_space<semaphore_mem>>) attributes {dimension_semantics = [#tpu.dimension_semantics<core_parallel>, #tpu.dimension_semantics<subcore_parallel>], iteration_bounds = array<i64: 2, 16>, scalar_prefetch = 0 : i64, scratch_operands = 10 : i64, tpu.core_type = #tpu.core_type<sc_vector_subcore>, window_params = [{transform_indices = #map}, {transform_indices = #map}, {transform_indices = #map}, {transform_indices = #map}, {transform_indices = #map}, {transform_indices = #map}, {transform_indices = #map}, {transform_indices = #map1}]} {
    %mul3A = arith.constant 2 : i32
    %mul3A_0 = arith.muli %arg1, %mul3A : i32
    %add3A = arith.addi %mul3A_0, %arg0 : i32
    %mul3A_1 = arith.constant 10000 : i32
    %mul3A_2 = arith.muli %add3A, %mul3A_1 : i32
    %mul3A_3 = arith.constant 640 : i32
    %mul3A_4 = arith.muli %arg1, %mul3A_3 : i32
    %mul3A_5 = arith.constant 640 : i32
    %mul3A_6 = arith.muli %arg1, %mul3A_5 : i32
    "tpu.region"() ({
      %run_scoped3A = tpu.sem_alloc : memref<!tpu.dma_semaphore, #tpu.memory_space<semaphore_mem>>
      %dma_start3A_127 = arith.constant 0 : i32
      %dma_start3A_128 = tpu.memref_slice %arg17[%mul3A_6, %dma_start3A_127] : memref<10240x16xf32, #tpu.memory_space<vmem_shared>> -> memref<640x16xf32, #tpu.memory_space<vmem_shared>>
      %dma_start3A_129 = arith.constant 0 : i32
      %dma_start3A_130 = tpu.memref_slice %arg7[%mul3A_4, %dma_start3A_129] : memref<10240x16xf32, #tpu.memory_space<hbm>> -> memref<640x16xf32, #tpu.memory_space<hbm>>
      tpu.enqueue_dma source(%dma_start3A_130 : memref<640x16xf32, #tpu.memory_space<hbm>>) target(%dma_start3A_128 : memref<640x16xf32, #tpu.memory_space<vmem_shared>>) target_semaphore(%run_scoped3A : memref<!tpu.dma_semaphore, #tpu.memory_space<semaphore_mem>>)
      %dma_wait3A_131 = arith.constant 0 : i32
      %dma_wait3A_132 = tpu.memref_slice %arg17[%mul3A_6, %dma_wait3A_131] : memref<10240x16xf32, #tpu.memory_space<vmem_shared>> -> memref<640x16xf32, #tpu.memory_space<vmem_shared>>
      %dma_wait3A_133 = arith.constant 0 : i32
      %dma_wait3A_134 = tpu.memref_slice %arg7[%mul3A_4, %dma_wait3A_133] : memref<10240x16xf32, #tpu.memory_space<hbm>> -> memref<640x16xf32, #tpu.memory_space<hbm>>
      tpu.wait_dma2 semaphore(%run_scoped3A : memref<!tpu.dma_semaphore, #tpu.memory_space<semaphore_mem>>) src(%dma_wait3A_134 : memref<640x16xf32, #tpu.memory_space<hbm>>) dst(%dma_wait3A_132 : memref<640x16xf32, #tpu.memory_space<vmem_shared>>)
      tpu.yield
    }) : () -> ()
    %mul3A_7 = arith.constant 125 : i32
    %mul3A_8 = arith.muli %add3A, %mul3A_7 : i32
    "tpu.region"() ({
      %run_scoped3A = tpu.sem_alloc : memref<!tpu.dma_semaphore, #tpu.memory_space<semaphore_mem>>
      %dma_start3A_127 = arith.constant 0 : i32
      %dma_start3A_128 = tpu.memref_slice %arg5[%mul3A_8, %dma_start3A_127] : memref<4000x80xi32, #tpu.memory_space<hbm>> -> memref<125x80xi32, #tpu.memory_space<hbm>>
      %dma_start3A_129 = arith.constant 0 : i32
      %dma_start3A_130 = tpu.memref_slice %arg5[%mul3A_8, %dma_start3A_129] : memref<4000x80xi32, #tpu.memory_space<hbm>> -> memref<125x80xi32, #tpu.memory_space<hbm>>
      tpu.enqueue_dma source(%dma_start3A_130 : memref<125x80xi32, #tpu.memory_space<hbm>>) target(%arg10 : memref<125x80xi32, #tpu.memory_space<vmem>>) target_semaphore(%run_scoped3A : memref<!tpu.dma_semaphore, #tpu.memory_space<semaphore_mem>>)
      %dma_wait3A_131 = arith.constant 0 : i32
      %dma_wait3A_132 = tpu.memref_slice %arg5[%mul3A_8, %dma_wait3A_131] : memref<4000x80xi32, #tpu.memory_space<hbm>> -> memref<125x80xi32, #tpu.memory_space<hbm>>
      %dma_wait3A_133 = arith.constant 0 : i32
      %dma_wait3A_134 = tpu.memref_slice %arg5[%mul3A_8, %dma_wait3A_133] : memref<4000x80xi32, #tpu.memory_space<hbm>> -> memref<125x80xi32, #tpu.memory_space<hbm>>
      tpu.wait_dma2 semaphore(%run_scoped3A : memref<!tpu.dma_semaphore, #tpu.memory_space<semaphore_mem>>) src(%dma_wait3A_134 : memref<125x80xi32, #tpu.memory_space<hbm>>) dst(%arg10 : memref<125x80xi32, #tpu.memory_space<vmem>>)
      tpu.yield
    }) : () -> ()
    %mul3A_9 = arith.constant 125 : i32
    %mul3A_10 = arith.muli %add3A, %mul3A_9 : i32
    "tpu.region"() ({
      %run_scoped3A = tpu.sem_alloc : memref<!tpu.dma_semaphore, #tpu.memory_space<semaphore_mem>>
      %dma_start3A_127 = arith.constant 0 : i32
      %dma_start3A_128 = tpu.memref_slice %arg6[%mul3A_10, %dma_start3A_127] : memref<4000x80xi32, #tpu.memory_space<hbm>> -> memref<125x80xi32, #tpu.memory_space<hbm>>
      %dma_start3A_129 = arith.constant 0 : i32
      %dma_start3A_130 = tpu.memref_slice %arg6[%mul3A_10, %dma_start3A_129] : memref<4000x80xi32, #tpu.memory_space<hbm>> -> memref<125x80xi32, #tpu.memory_space<hbm>>
      tpu.enqueue_dma source(%dma_start3A_130 : memref<125x80xi32, #tpu.memory_space<hbm>>) target(%arg11 : memref<125x80xi32, #tpu.memory_space<vmem>>) target_semaphore(%run_scoped3A : memref<!tpu.dma_semaphore, #tpu.memory_space<semaphore_mem>>)
      %dma_wait3A_131 = arith.constant 0 : i32
      %dma_wait3A_132 = tpu.memref_slice %arg6[%mul3A_10, %dma_wait3A_131] : memref<4000x80xi32, #tpu.memory_space<hbm>> -> memref<125x80xi32, #tpu.memory_space<hbm>>
      %dma_wait3A_133 = arith.constant 0 : i32
      %dma_wait3A_134 = tpu.memref_slice %arg6[%mul3A_10, %dma_wait3A_133] : memref<4000x80xi32, #tpu.memory_space<hbm>> -> memref<125x80xi32, #tpu.memory_space<hbm>>
      tpu.wait_dma2 semaphore(%run_scoped3A : memref<!tpu.dma_semaphore, #tpu.memory_space<semaphore_mem>>) src(%dma_wait3A_134 : memref<125x80xi32, #tpu.memory_space<hbm>>) dst(%arg11 : memref<125x80xi32, #tpu.memory_space<vmem>>)
      tpu.yield
    }) : () -> ()
    %iota3A = tpu.iota {dimensions = array<i32: 0>} : vector<16xi32>
    %add3A_11 = arith.constant 0 : i32
    %add3A_12 = arith.addi %mul3A_2, %add3A_11 : i32
    %dma_start3A = arith.constant 0 : i32
    %dma_start3A_13 = arith.constant 0 : i32
    %dma_start3A_14 = arith.constant 0 : i32
    %dma_start3A_15 = arith.constant 0 : i32
    %dma_start3A_16 = tpu.memref_slice %arg12[%dma_start3A_13, %dma_start3A_14, %dma_start3A_15] : memref<2x80x16xf32, #tpu.memory_space<vmem>> -> memref<1x80x16xf32, #tpu.memory_space<vmem>>
    %dma_start3A_17 = tpu.memref_squeeze %dma_start3A_16 : memref<1x80x16xf32, #tpu.memory_space<vmem>> -> memref<80x16xf32, #tpu.memory_space<vmem>>
    %dma_start3A_18 = arith.constant 0 : i32
    %dma_start3A_19 = tpu.memref_slice %arg10[%dma_start3A, %dma_start3A_18] : memref<125x80xi32, #tpu.memory_space<vmem>> -> memref<1x80xi32, #tpu.memory_space<vmem>>
    %dma_start3A_20 = tpu.memref_squeeze %dma_start3A_19 : memref<1x80xi32, #tpu.memory_space<vmem>> -> memref<80xi32, #tpu.memory_space<vmem>>
    %dma_start3A_21 = arith.constant 0 : i32
    %dma_start3A_22 = arith.constant 0 : i32
    %dma_start3A_23 = tpu.memref_slice %arg2[%dma_start3A_21, %dma_start3A_22] : memref<10000x16xf32, #tpu.memory_space<hbm>> -> memref<10000x16xf32, #tpu.memory_space<hbm>>
    tpu.enqueue_indirect_dma source(%dma_start3A_23 : memref<10000x16xf32, #tpu.memory_space<hbm>>) target(%dma_start3A_17 : memref<80x16xf32, #tpu.memory_space<vmem>>) offsets(%dma_start3A_20 : memref<80xi32, #tpu.memory_space<vmem>>) semaphore(%arg18 : memref<!tpu.dma_semaphore, #tpu.memory_space<semaphore_mem>>)
    %dma_start3A_24 = arith.constant 0 : i32
    %dma_start3A_25 = arith.constant 0 : i32
    %dma_start3A_26 = arith.constant 0 : i32
    %dma_start3A_27 = arith.constant 0 : i32
    %dma_start3A_28 = tpu.memref_slice %arg13[%dma_start3A_25, %dma_start3A_26, %dma_start3A_27] : memref<2x80x16xf32, #tpu.memory_space<vmem>> -> memref<1x80x16xf32, #tpu.memory_space<vmem>>
    %dma_start3A_29 = tpu.memref_squeeze %dma_start3A_28 : memref<1x80x16xf32, #tpu.memory_space<vmem>> -> memref<80x16xf32, #tpu.memory_space<vmem>>
    %dma_start3A_30 = arith.constant 0 : i32
    %dma_start3A_31 = tpu.memref_slice %arg11[%dma_start3A_24, %dma_start3A_30] : memref<125x80xi32, #tpu.memory_space<vmem>> -> memref<1x80xi32, #tpu.memory_space<vmem>>
    %dma_start3A_32 = tpu.memref_squeeze %dma_start3A_31 : memref<1x80xi32, #tpu.memory_space<vmem>> -> memref<80xi32, #tpu.memory_space<vmem>>
    %dma_start3A_33 = arith.constant 0 : i32
    %dma_start3A_34 = arith.constant 0 : i32
    %dma_start3A_35 = tpu.memref_slice %arg3[%dma_start3A_33, %dma_start3A_34] : memref<10000x16xf32, #tpu.memory_space<hbm>> -> memref<10000x16xf32, #tpu.memory_space<hbm>>
    tpu.enqueue_indirect_dma source(%dma_start3A_35 : memref<10000x16xf32, #tpu.memory_space<hbm>>) target(%dma_start3A_29 : memref<80x16xf32, #tpu.memory_space<vmem>>) offsets(%dma_start3A_32 : memref<80xi32, #tpu.memory_space<vmem>>) semaphore(%arg18 : memref<!tpu.dma_semaphore, #tpu.memory_space<semaphore_mem>>)
    %dma_start3A_36 = arith.constant 0 : i32
    %dma_start3A_37 = arith.constant 0 : i32
    %dma_start3A_38 = arith.constant 0 : i32
    %dma_start3A_39 = tpu.memref_slice %arg14[%dma_start3A_36, %dma_start3A_37, %dma_start3A_38] : memref<2x16x81xf32, #tpu.memory_space<vmem>> -> memref<1x16x80xf32, #tpu.memory_space<vmem>>
    %dma_start3A_40 = tpu.memref_squeeze %dma_start3A_39 : memref<1x16x80xf32, #tpu.memory_space<vmem>> -> memref<16x80xf32, #tpu.memory_space<vmem>>
    %dma_start3A_41 = arith.constant 0 : i32
    %dma_start3A_42 = tpu.memref_slice %arg4[%dma_start3A_41, %add3A_12] : memref<16x320000xf32, #tpu.memory_space<hbm>> -> memref<16x80xf32, #tpu.memory_space<hbm>>
    %dma_start3A_43 = arith.constant 0 : i32
    %dma_start3A_44 = arith.constant 0 : i32
    %dma_start3A_45 = tpu.memref_slice %arg14[%dma_start3A_36, %dma_start3A_43, %dma_start3A_44] : memref<2x16x81xf32, #tpu.memory_space<vmem>> -> memref<1x16x80xf32, #tpu.memory_space<vmem>>
    %dma_start3A_46 = tpu.memref_squeeze %dma_start3A_45 : memref<1x16x80xf32, #tpu.memory_space<vmem>> -> memref<16x80xf32, #tpu.memory_space<vmem>>
    %dma_start3A_47 = arith.constant 0 : i32
    %dma_start3A_48 = tpu.memref_slice %arg4[%dma_start3A_47, %add3A_12] : memref<16x320000xf32, #tpu.memory_space<hbm>> -> memref<16x80xf32, #tpu.memory_space<hbm>>
    tpu.enqueue_dma source(%dma_start3A_48 : memref<16x80xf32, #tpu.memory_space<hbm>>) target(%dma_start3A_46 : memref<16x80xf32, #tpu.memory_space<vmem>>) target_semaphore(%arg18 : memref<!tpu.dma_semaphore, #tpu.memory_space<semaphore_mem>>)
    %add3A_49 = arith.constant 80 : i32
    %add3A_50 = arith.addi %mul3A_2, %add3A_49 : i32
    %dma_start3A_51 = arith.constant 1 : i32
    %dma_start3A_52 = arith.constant 1 : i32
    %dma_start3A_53 = arith.constant 0 : i32
    %dma_start3A_54 = arith.constant 0 : i32
    %dma_start3A_55 = tpu.memref_slice %arg12[%dma_start3A_52, %dma_start3A_53, %dma_start3A_54] : memref<2x80x16xf32, #tpu.memory_space<vmem>> -> memref<1x80x16xf32, #tpu.memory_space<vmem>>
    %dma_start3A_56 = tpu.memref_squeeze %dma_start3A_55 : memref<1x80x16xf32, #tpu.memory_space<vmem>> -> memref<80x16xf32, #tpu.memory_space<vmem>>
    %dma_start3A_57 = arith.constant 0 : i32
    %dma_start3A_58 = tpu.memref_slice %arg10[%dma_start3A_51, %dma_start3A_57] : memref<125x80xi32, #tpu.memory_space<vmem>> -> memref<1x80xi32, #tpu.memory_space<vmem>>
    %dma_start3A_59 = tpu.memref_squeeze %dma_start3A_58 : memref<1x80xi32, #tpu.memory_space<vmem>> -> memref<80xi32, #tpu.memory_space<vmem>>
    %dma_start3A_60 = arith.constant 0 : i32
    %dma_start3A_61 = arith.constant 0 : i32
    %dma_start3A_62 = tpu.memref_slice %arg2[%dma_start3A_60, %dma_start3A_61] : memref<10000x16xf32, #tpu.memory_space<hbm>> -> memref<10000x16xf32, #tpu.memory_space<hbm>>
    tpu.enqueue_indirect_dma source(%dma_start3A_62 : memref<10000x16xf32, #tpu.memory_space<hbm>>) target(%dma_start3A_56 : memref<80x16xf32, #tpu.memory_space<vmem>>) offsets(%dma_start3A_59 : memref<80xi32, #tpu.memory_space<vmem>>) semaphore(%arg18 : memref<!tpu.dma_semaphore, #tpu.memory_space<semaphore_mem>>)
    %dma_start3A_63 = arith.constant 1 : i32
    %dma_start3A_64 = arith.constant 1 : i32
    %dma_start3A_65 = arith.constant 0 : i32
    %dma_start3A_66 = arith.constant 0 : i32
    %dma_start3A_67 = tpu.memref_slice %arg13[%dma_start3A_64, %dma_start3A_65, %dma_start3A_66] : memref<2x80x16xf32, #tpu.memory_space<vmem>> -> memref<1x80x16xf32, #tpu.memory_space<vmem>>
    %dma_start3A_68 = tpu.memref_squeeze %dma_start3A_67 : memref<1x80x16xf32, #tpu.memory_space<vmem>> -> memref<80x16xf32, #tpu.memory_space<vmem>>
    %dma_start3A_69 = arith.constant 0 : i32
    %dma_start3A_70 = tpu.memref_slice %arg11[%dma_start3A_63, %dma_start3A_69] : memref<125x80xi32, #tpu.memory_space<vmem>> -> memref<1x80xi32, #tpu.memory_space<vmem>>
    %dma_start3A_71 = tpu.memref_squeeze %dma_start3A_70 : memref<1x80xi32, #tpu.memory_space<vmem>> -> memref<80xi32, #tpu.memory_space<vmem>>
    %dma_start3A_72 = arith.constant 0 : i32
    %dma_start3A_73 = arith.constant 0 : i32
    %dma_start3A_74 = tpu.memref_slice %arg3[%dma_start3A_72, %dma_start3A_73] : memref<10000x16xf32, #tpu.memory_space<hbm>> -> memref<10000x16xf32, #tpu.memory_space<hbm>>
    tpu.enqueue_indirect_dma source(%dma_start3A_74 : memref<10000x16xf32, #tpu.memory_space<hbm>>) target(%dma_start3A_68 : memref<80x16xf32, #tpu.memory_space<vmem>>) offsets(%dma_start3A_71 : memref<80xi32, #tpu.memory_space<vmem>>) semaphore(%arg18 : memref<!tpu.dma_semaphore, #tpu.memory_space<semaphore_mem>>)
    %dma_start3A_75 = arith.constant 1 : i32
    %dma_start3A_76 = arith.constant 0 : i32
    %dma_start3A_77 = arith.constant 0 : i32
    %dma_start3A_78 = tpu.memref_slice %arg14[%dma_start3A_75, %dma_start3A_76, %dma_start3A_77] : memref<2x16x81xf32, #tpu.memory_space<vmem>> -> memref<1x16x80xf32, #tpu.memory_space<vmem>>
    %dma_start3A_79 = tpu.memref_squeeze %dma_start3A_78 : memref<1x16x80xf32, #tpu.memory_space<vmem>> -> memref<16x80xf32, #tpu.memory_space<vmem>>
    %dma_start3A_80 = arith.constant 0 : i32
    %dma_start3A_81 = tpu.memref_slice %arg4[%dma_start3A_80, %add3A_50] : memref<16x320000xf32, #tpu.memory_space<hbm>> -> memref<16x80xf32, #tpu.memory_space<hbm>>
    %dma_start3A_82 = arith.constant 0 : i32
    %dma_start3A_83 = arith.constant 0 : i32
    %dma_start3A_84 = tpu.memref_slice %arg14[%dma_start3A_75, %dma_start3A_82, %dma_start3A_83] : memref<2x16x81xf32, #tpu.memory_space<vmem>> -> memref<1x16x80xf32, #tpu.memory_space<vmem>>
    %dma_start3A_85 = tpu.memref_squeeze %dma_start3A_84 : memref<1x16x80xf32, #tpu.memory_space<vmem>> -> memref<16x80xf32, #tpu.memory_space<vmem>>
    %dma_start3A_86 = arith.constant 0 : i32
    %dma_start3A_87 = tpu.memref_slice %arg4[%dma_start3A_86, %add3A_50] : memref<16x320000xf32, #tpu.memory_space<hbm>> -> memref<16x80xf32, #tpu.memory_space<hbm>>
    tpu.enqueue_dma source(%dma_start3A_87 : memref<16x80xf32, #tpu.memory_space<hbm>>) target(%dma_start3A_85 : memref<16x80xf32, #tpu.memory_space<vmem>>) target_semaphore(%arg18 : memref<!tpu.dma_semaphore, #tpu.memory_space<semaphore_mem>>)
    %barrier3A = arith.constant 0 : index
    tpu.barrier barrier_id(%barrier3A)
    %scan3A = arith.constant 0 : i32
    %scan3A_88 = arith.constant 0 : i32
    %scan3A_89 = arith.constant 125 : i32
    %scan3A_90 = arith.addi %scan3A_88, %scan3A_89 : i32
    %scan3A_91 = arith.constant 1 : i32
    scf.for %scan3A_127 = %scan3A_88 to %scan3A_90 step %scan3A_91  : i32 {
      %jit3A = arith.constant 2 : i32
      %eq3A = arith.constant 0 : i32
      %eq3A_128 = arith.cmpi eq, %jit3A, %eq3A : i32
      %jit3A_129 = arith.constant 1 : i32
      %select_n3A = arith.select %eq3A_128, %jit3A_129, %jit3A : i32
      %rem3A = arith.remsi %scan3A_127, %select_n3A : i32
      %ne3A = arith.constant 0 : i32
      %ne3A_130 = arith.cmpi ne, %rem3A, %ne3A : i32
      %lt3A = arith.constant 0 : i32
      %lt3A_131 = arith.cmpi slt, %rem3A, %lt3A : i32
      %lt3A_132 = arith.constant 0 : i32
      %lt3A_133 = arith.cmpi slt, %select_n3A, %lt3A_132 : i32
      %ne3A_134 = arith.xori %lt3A_131, %lt3A_133 : i1
      %and3A = arith.andi %ne3A_134, %ne3A_130 : i1
      %add3A_135 = arith.addi %rem3A, %select_n3A : i32
      %select_n3A_136 = arith.select %and3A, %add3A_135, %rem3A : i32
      %mul3A_137 = arith.constant 80 : i32
      %mul3A_138 = arith.muli %scan3A_127, %mul3A_137 : i32
      %add3A_139 = arith.addi %mul3A_2, %mul3A_138 : i32
      %jit3A_140 = arith.constant 2 : i32
      %eq3A_141 = arith.constant 0 : i32
      %eq3A_142 = arith.cmpi eq, %jit3A_140, %eq3A_141 : i32
      %jit3A_143 = arith.constant 1 : i32
      %select_n3A_144 = arith.select %eq3A_142, %jit3A_143, %jit3A_140 : i32
      %rem3A_145 = arith.remsi %scan3A_127, %select_n3A_144 : i32
      %ne3A_146 = arith.constant 0 : i32
      %ne3A_147 = arith.cmpi ne, %rem3A_145, %ne3A_146 : i32
      %lt3A_148 = arith.constant 0 : i32
      %lt3A_149 = arith.cmpi slt, %rem3A_145, %lt3A_148 : i32
      %lt3A_150 = arith.constant 0 : i32
      %lt3A_151 = arith.cmpi slt, %select_n3A_144, %lt3A_150 : i32
      %ne3A_152 = arith.xori %lt3A_149, %lt3A_151 : i1
      %and3A_153 = arith.andi %ne3A_152, %ne3A_147 : i1
      %add3A_154 = arith.addi %rem3A_145, %select_n3A_144 : i32
      %select_n3A_155 = arith.select %and3A_153, %add3A_154, %rem3A_145 : i32
      %dma_wait3A_156 = arith.constant 0 : i32
      %dma_wait3A_157 = arith.constant 0 : i32
      %dma_wait3A_158 = tpu.memref_slice %arg12[%select_n3A_155, %dma_wait3A_156, %dma_wait3A_157] : memref<2x80x16xf32, #tpu.memory_space<vmem>> -> memref<1x80x16xf32, #tpu.memory_space<vmem>>
      %dma_wait3A_159 = tpu.memref_squeeze %dma_wait3A_158 : memref<1x80x16xf32, #tpu.memory_space<vmem>> -> memref<80x16xf32, #tpu.memory_space<vmem>>
      %dma_wait3A_160 = arith.constant 0 : i32
      %dma_wait3A_161 = tpu.memref_slice %arg10[%scan3A_127, %dma_wait3A_160] : memref<125x80xi32, #tpu.memory_space<vmem>> -> memref<1x80xi32, #tpu.memory_space<vmem>>
      %dma_wait3A_162 = tpu.memref_squeeze %dma_wait3A_161 : memref<1x80xi32, #tpu.memory_space<vmem>> -> memref<80xi32, #tpu.memory_space<vmem>>
      %dma_wait3A_163 = arith.constant 0 : i32
      %dma_wait3A_164 = arith.constant 0 : i32
      %dma_wait3A_165 = tpu.memref_slice %arg2[%dma_wait3A_163, %dma_wait3A_164] : memref<10000x16xf32, #tpu.memory_space<hbm>> -> memref<10000x16xf32, #tpu.memory_space<hbm>>
      tpu.wait_indirect_dma semaphore(%arg18 : memref<!tpu.dma_semaphore, #tpu.memory_space<semaphore_mem>>) src(%dma_wait3A_165 : memref<10000x16xf32, #tpu.memory_space<hbm>>) dst(%dma_wait3A_159 : memref<80x16xf32, #tpu.memory_space<vmem>>)
      %dma_wait3A_166 = arith.constant 0 : i32
      %dma_wait3A_167 = arith.constant 0 : i32
      %dma_wait3A_168 = tpu.memref_slice %arg13[%select_n3A_155, %dma_wait3A_166, %dma_wait3A_167] : memref<2x80x16xf32, #tpu.memory_space<vmem>> -> memref<1x80x16xf32, #tpu.memory_space<vmem>>
      %dma_wait3A_169 = tpu.memref_squeeze %dma_wait3A_168 : memref<1x80x16xf32, #tpu.memory_space<vmem>> -> memref<80x16xf32, #tpu.memory_space<vmem>>
      %dma_wait3A_170 = arith.constant 0 : i32
      %dma_wait3A_171 = tpu.memref_slice %arg11[%scan3A_127, %dma_wait3A_170] : memref<125x80xi32, #tpu.memory_space<vmem>> -> memref<1x80xi32, #tpu.memory_space<vmem>>
      %dma_wait3A_172 = tpu.memref_squeeze %dma_wait3A_171 : memref<1x80xi32, #tpu.memory_space<vmem>> -> memref<80xi32, #tpu.memory_space<vmem>>
      %dma_wait3A_173 = arith.constant 0 : i32
      %dma_wait3A_174 = arith.constant 0 : i32
      %dma_wait3A_175 = tpu.memref_slice %arg3[%dma_wait3A_173, %dma_wait3A_174] : memref<10000x16xf32, #tpu.memory_space<hbm>> -> memref<10000x16xf32, #tpu.memory_space<hbm>>
      tpu.wait_indirect_dma semaphore(%arg18 : memref<!tpu.dma_semaphore, #tpu.memory_space<semaphore_mem>>) src(%dma_wait3A_175 : memref<10000x16xf32, #tpu.memory_space<hbm>>) dst(%dma_wait3A_169 : memref<80x16xf32, #tpu.memory_space<vmem>>)
      %dma_wait3A_176 = arith.constant 0 : i32
      %dma_wait3A_177 = arith.constant 0 : i32
      %dma_wait3A_178 = tpu.memref_slice %arg14[%select_n3A_155, %dma_wait3A_176, %dma_wait3A_177] : memref<2x16x81xf32, #tpu.memory_space<vmem>> -> memref<1x16x80xf32, #tpu.memory_space<vmem>>
      %dma_wait3A_179 = tpu.memref_squeeze %dma_wait3A_178 : memref<1x16x80xf32, #tpu.memory_space<vmem>> -> memref<16x80xf32, #tpu.memory_space<vmem>>
      %dma_wait3A_180 = arith.constant 0 : i32
      %dma_wait3A_181 = tpu.memref_slice %arg4[%dma_wait3A_180, %add3A_139] : memref<16x320000xf32, #tpu.memory_space<hbm>> -> memref<16x80xf32, #tpu.memory_space<hbm>>
      %dma_wait3A_182 = arith.constant 0 : i32
      %dma_wait3A_183 = arith.constant 0 : i32
      %dma_wait3A_184 = tpu.memref_slice %arg14[%select_n3A_155, %dma_wait3A_182, %dma_wait3A_183] : memref<2x16x81xf32, #tpu.memory_space<vmem>> -> memref<1x16x80xf32, #tpu.memory_space<vmem>>
      %dma_wait3A_185 = tpu.memref_squeeze %dma_wait3A_184 : memref<1x16x80xf32, #tpu.memory_space<vmem>> -> memref<16x80xf32, #tpu.memory_space<vmem>>
      %dma_wait3A_186 = arith.constant 0 : i32
      %dma_wait3A_187 = tpu.memref_slice %arg4[%dma_wait3A_186, %add3A_139] : memref<16x320000xf32, #tpu.memory_space<hbm>> -> memref<16x80xf32, #tpu.memory_space<hbm>>
      tpu.wait_dma2 semaphore(%arg18 : memref<!tpu.dma_semaphore, #tpu.memory_space<semaphore_mem>>) src(%dma_wait3A_187 : memref<16x80xf32, #tpu.memory_space<hbm>>) dst(%dma_wait3A_185 : memref<16x80xf32, #tpu.memory_space<vmem>>)
      %ge3A = arith.constant 2 : i32
      %ge3A_188 = arith.cmpi sge, %scan3A_127, %ge3A : i32
      %convert_element_type3A = arith.extui %ge3A_188 : i1 to i32
      %cond3A = arith.constant 0 : i32
      %cond3A_189 = arith.cmpi ne, %convert_element_type3A, %cond3A : i32
      scf.if %cond3A_189 {
        %sub3A = arith.constant 2 : i32
        %sub3A_234 = arith.subi %scan3A_127, %sub3A : i32
        %mul3A_235 = arith.constant 80 : i32
        %mul3A_236 = arith.muli %sub3A_234, %mul3A_235 : i32
        %add3A_237 = arith.addi %mul3A_2, %mul3A_236 : i32
        %jit3A_238 = arith.constant 2 : i32
        %eq3A_239 = arith.constant 0 : i32
        %eq3A_240 = arith.cmpi eq, %jit3A_238, %eq3A_239 : i32
        %jit3A_241 = arith.constant 1 : i32
        %select_n3A_242 = arith.select %eq3A_240, %jit3A_241, %jit3A_238 : i32
        %rem3A_243 = arith.remsi %sub3A_234, %select_n3A_242 : i32
        %ne3A_244 = arith.constant 0 : i32
        %ne3A_245 = arith.cmpi ne, %rem3A_243, %ne3A_244 : i32
        %lt3A_246 = arith.constant 0 : i32
        %lt3A_247 = arith.cmpi slt, %rem3A_243, %lt3A_246 : i32
        %lt3A_248 = arith.constant 0 : i32
        %lt3A_249 = arith.cmpi slt, %select_n3A_242, %lt3A_248 : i32
        %ne3A_250 = arith.xori %lt3A_247, %lt3A_249 : i1
        %and3A_251 = arith.andi %ne3A_250, %ne3A_245 : i1
        %add3A_252 = arith.addi %rem3A_243, %select_n3A_242 : i32
        %select_n3A_253 = arith.select %and3A_251, %add3A_252, %rem3A_243 : i32
        %dma_wait3A_254 = arith.constant 0 : i32
        %dma_wait3A_255 = arith.constant 0 : i32
        %dma_wait3A_256 = tpu.memref_slice %arg16[%select_n3A_253, %dma_wait3A_254, %dma_wait3A_255] : memref<2x16x81xf32, #tpu.memory_space<vmem>> -> memref<1x16x80xf32, #tpu.memory_space<vmem>>
        %dma_wait3A_257 = tpu.memref_squeeze %dma_wait3A_256 : memref<1x16x80xf32, #tpu.memory_space<vmem>> -> memref<16x80xf32, #tpu.memory_space<vmem>>
        %dma_wait3A_258 = arith.constant 0 : i32
        %dma_wait3A_259 = tpu.memref_slice %arg8[%dma_wait3A_258, %add3A_237] : memref<16x320000xf32, #tpu.memory_space<hbm>> -> memref<16x80xf32, #tpu.memory_space<hbm>>
        %dma_wait3A_260 = arith.constant 0 : i32
        %dma_wait3A_261 = tpu.memref_slice %arg8[%dma_wait3A_260, %add3A_237] : memref<16x320000xf32, #tpu.memory_space<hbm>> -> memref<16x80xf32, #tpu.memory_space<hbm>>
        %dma_wait3A_262 = arith.constant 0 : i32
        %dma_wait3A_263 = arith.constant 0 : i32
        %dma_wait3A_264 = tpu.memref_slice %arg16[%select_n3A_253, %dma_wait3A_262, %dma_wait3A_263] : memref<2x16x81xf32, #tpu.memory_space<vmem>> -> memref<1x16x80xf32, #tpu.memory_space<vmem>>
        %dma_wait3A_265 = tpu.memref_squeeze %dma_wait3A_264 : memref<1x16x80xf32, #tpu.memory_space<vmem>> -> memref<16x80xf32, #tpu.memory_space<vmem>>
        tpu.wait_dma2 semaphore(%arg19 : memref<!tpu.dma_semaphore, #tpu.memory_space<semaphore_mem>>) src(%dma_wait3A_265 : memref<16x80xf32, #tpu.memory_space<vmem>>) dst(%dma_wait3A_261 : memref<16x80xf32, #tpu.memory_space<hbm>>)
      } else {
      }
      %scan3A_190 = arith.constant 0 : i32
      %scan3A_191 = arith.constant 0 : i32
      %scan3A_192 = arith.constant 80 : i32
      %scan3A_193 = arith.addi %scan3A_191, %scan3A_192 : i32
      %scan3A_194 = arith.constant 8 : i32
      scf.for %scan3A_234 = %scan3A_191 to %scan3A_193 step %scan3A_194  : i32 {
        %broadcast_in_dim3A = vector.broadcast %scan3A_234 : i32 to vector<16xi32>
        %gather3A = arith.constant 0 : i32
        %gather3A_235 = arith.constant 0 : i32
        %gather3A_236 = tpu.memref_slice %arg14[%select_n3A_136, %gather3A, %gather3A_235] : memref<2x16x81xf32, #tpu.memory_space<vmem>> -> memref<1x16x81xf32, #tpu.memory_space<vmem>>
        %gather3A_237 = tpu.memref_squeeze %gather3A_236 : memref<1x16x81xf32, #tpu.memory_space<vmem>> -> memref<16x81xf32, #tpu.memory_space<vmem>>
        %gather3A_238 = tpu.vector_load_idx %gather3A_237[%iota3A, %broadcast_in_dim3A] : memref<16x81xf32, #tpu.memory_space<vmem>>[vector<16xi32>, vector<16xi32>], vector<16xf32>,
        %get3A = arith.index_cast %select_n3A_136 : i32 to index
        %get3A_239 = arith.index_cast %scan3A_234 : i32 to index
        %get3A_240 = arith.constant 0 : index
        %get3A_241 = tpu.vector_load %arg12[%get3A, %get3A_239, %get3A_240] {strides = array<i32>} : memref<2x80x16xf32, #tpu.memory_space<vmem>>, vector<16xf32>,
        %get3A_242 = arith.index_cast %select_n3A_136 : i32 to index
        %get3A_243 = arith.index_cast %scan3A_234 : i32 to index
        %get3A_244 = arith.constant 0 : index
        %get3A_245 = tpu.vector_load %arg13[%get3A_242, %get3A_243, %get3A_244] {strides = array<i32>} : memref<2x80x16xf32, #tpu.memory_space<vmem>>, vector<16xf32>,
        %add3A_246 = arith.addf %get3A_241, %get3A_245 : vector<16xf32>
        %add3A_247 = arith.addf %add3A_246, %gather3A_238 : vector<16xf32>
        %swap3A = arith.index_cast %scan3A_234 : i32 to index
        %swap3A_248 = arith.constant 0 : index
        %swap3A_249 = tpu.vector_load %arg15[%swap3A, %swap3A_248] {strides = array<i32>} : memref<80x16xf32, #tpu.memory_space<vmem>>, vector<16xf32>,
        tpu.vector_store %arg15[%swap3A, %swap3A_248], %add3A_247 {strides = array<i32>} : memref<80x16xf32, #tpu.memory_space<vmem>>, vector<16xf32>,
        %scatter3A = arith.constant 0 : i32
        %scatter3A_250 = arith.constant 0 : i32
        %scatter3A_251 = tpu.memref_slice %arg16[%select_n3A_136, %scatter3A, %scatter3A_250] : memref<2x16x81xf32, #tpu.memory_space<vmem>> -> memref<1x16x81xf32, #tpu.memory_space<vmem>>
        %scatter3A_252 = tpu.memref_squeeze %scatter3A_251 : memref<1x16x81xf32, #tpu.memory_space<vmem>> -> memref<16x81xf32, #tpu.memory_space<vmem>>
        tpu.vector_store_idx %scatter3A_252[%iota3A, %broadcast_in_dim3A], %add3A_247 : memref<16x81xf32, #tpu.memory_space<vmem>>[vector<16xi32>, vector<16xi32>], vector<16xf32>,
        %scan3A_253 = arith.constant 1 : i32
        %scan3A_254 = arith.addi %scan3A_234, %scan3A_253 : i32
        %broadcast_in_dim3A_255 = vector.broadcast %scan3A_254 : i32 to vector<16xi32>
        %gather3A_256 = arith.constant 0 : i32
        %gather3A_257 = arith.constant 0 : i32
        %gather3A_258 = tpu.memref_slice %arg14[%select_n3A_136, %gather3A_256, %gather3A_257] : memref<2x16x81xf32, #tpu.memory_space<vmem>> -> memref<1x16x81xf32, #tpu.memory_space<vmem>>
        %gather3A_259 = tpu.memref_squeeze %gather3A_258 : memref<1x16x81xf32, #tpu.memory_space<vmem>> -> memref<16x81xf32, #tpu.memory_space<vmem>>
        %gather3A_260 = tpu.vector_load_idx %gather3A_259[%iota3A, %broadcast_in_dim3A_255] : memref<16x81xf32, #tpu.memory_space<vmem>>[vector<16xi32>, vector<16xi32>], vector<16xf32>,
        %get3A_261 = arith.index_cast %select_n3A_136 : i32 to index
        %get3A_262 = arith.index_cast %scan3A_254 : i32 to index
        %get3A_263 = arith.constant 0 : index
        %get3A_264 = tpu.vector_load %arg12[%get3A_261, %get3A_262, %get3A_263] {strides = array<i32>} : memref<2x80x16xf32, #tpu.memory_space<vmem>>, vector<16xf32>,
        %get3A_265 = arith.index_cast %select_n3A_136 : i32 to index
        %get3A_266 = arith.index_cast %scan3A_254 : i32 to index
        %get3A_267 = arith.constant 0 : index
        %get3A_268 = tpu.vector_load %arg13[%get3A_265, %get3A_266, %get3A_267] {strides = array<i32>} : memref<2x80x16xf32, #tpu.memory_space<vmem>>, vector<16xf32>,
        %add3A_269 = arith.addf %get3A_264, %get3A_268 : vector<16xf32>
        %add3A_270 = arith.addf %add3A_269, %gather3A_260 : vector<16xf32>
        %swap3A_271 = arith.index_cast %scan3A_254 : i32 to index
        %swap3A_272 = arith.constant 0 : index
        %swap3A_273 = tpu.vector_load %arg15[%swap3A_271, %swap3A_272] {strides = array<i32>} : memref<80x16xf32, #tpu.memory_space<vmem>>, vector<16xf32>,
        tpu.vector_store %arg15[%swap3A_271, %swap3A_272], %add3A_270 {strides = array<i32>} : memref<80x16xf32, #tpu.memory_space<vmem>>, vector<16xf32>,
        %scatter3A_274 = arith.constant 0 : i32
        %scatter3A_275 = arith.constant 0 : i32
        %scatter3A_276 = tpu.memref_slice %arg16[%select_n3A_136, %scatter3A_274, %scatter3A_275] : memref<2x16x81xf32, #tpu.memory_space<vmem>> -> memref<1x16x81xf32, #tpu.memory_space<vmem>>
        %scatter3A_277 = tpu.memref_squeeze %scatter3A_276 : memref<1x16x81xf32, #tpu.memory_space<vmem>> -> memref<16x81xf32, #tpu.memory_space<vmem>>
        tpu.vector_store_idx %scatter3A_277[%iota3A, %broadcast_in_dim3A_255], %add3A_270 : memref<16x81xf32, #tpu.memory_space<vmem>>[vector<16xi32>, vector<16xi32>], vector<16xf32>,
        %scan3A_278 = arith.constant 2 : i32
        %scan3A_279 = arith.addi %scan3A_234, %scan3A_278 : i32
        %broadcast_in_dim3A_280 = vector.broadcast %scan3A_279 : i32 to vector<16xi32>
        %gather3A_281 = arith.constant 0 : i32
        %gather3A_282 = arith.constant 0 : i32
        %gather3A_283 = tpu.memref_slice %arg14[%select_n3A_136, %gather3A_281, %gather3A_282] : memref<2x16x81xf32, #tpu.memory_space<vmem>> -> memref<1x16x81xf32, #tpu.memory_space<vmem>>
        %gather3A_284 = tpu.memref_squeeze %gather3A_283 : memref<1x16x81xf32, #tpu.memory_space<vmem>> -> memref<16x81xf32, #tpu.memory_space<vmem>>
        %gather3A_285 = tpu.vector_load_idx %gather3A_284[%iota3A, %broadcast_in_dim3A_280] : memref<16x81xf32, #tpu.memory_space<vmem>>[vector<16xi32>, vector<16xi32>], vector<16xf32>,
        %get3A_286 = arith.index_cast %select_n3A_136 : i32 to index
        %get3A_287 = arith.index_cast %scan3A_279 : i32 to index
        %get3A_288 = arith.constant 0 : index
        %get3A_289 = tpu.vector_load %arg12[%get3A_286, %get3A_287, %get3A_288] {strides = array<i32>} : memref<2x80x16xf32, #tpu.memory_space<vmem>>, vector<16xf32>,
        %get3A_290 = arith.index_cast %select_n3A_136 : i32 to index
        %get3A_291 = arith.index_cast %scan3A_279 : i32 to index
        %get3A_292 = arith.constant 0 : index
        %get3A_293 = tpu.vector_load %arg13[%get3A_290, %get3A_291, %get3A_292] {strides = array<i32>} : memref<2x80x16xf32, #tpu.memory_space<vmem>>, vector<16xf32>,
        %add3A_294 = arith.addf %get3A_289, %get3A_293 : vector<16xf32>
        %add3A_295 = arith.addf %add3A_294, %gather3A_285 : vector<16xf32>
        %swap3A_296 = arith.index_cast %scan3A_279 : i32 to index
        %swap3A_297 = arith.constant 0 : index
        %swap3A_298 = tpu.vector_load %arg15[%swap3A_296, %swap3A_297] {strides = array<i32>} : memref<80x16xf32, #tpu.memory_space<vmem>>, vector<16xf32>,
        tpu.vector_store %arg15[%swap3A_296, %swap3A_297], %add3A_295 {strides = array<i32>} : memref<80x16xf32, #tpu.memory_space<vmem>>, vector<16xf32>,
        %scatter3A_299 = arith.constant 0 : i32
        %scatter3A_300 = arith.constant 0 : i32
        %scatter3A_301 = tpu.memref_slice %arg16[%select_n3A_136, %scatter3A_299, %scatter3A_300] : memref<2x16x81xf32, #tpu.memory_space<vmem>> -> memref<1x16x81xf32, #tpu.memory_space<vmem>>
        %scatter3A_302 = tpu.memref_squeeze %scatter3A_301 : memref<1x16x81xf32, #tpu.memory_space<vmem>> -> memref<16x81xf32, #tpu.memory_space<vmem>>
        tpu.vector_store_idx %scatter3A_302[%iota3A, %broadcast_in_dim3A_280], %add3A_295 : memref<16x81xf32, #tpu.memory_space<vmem>>[vector<16xi32>, vector<16xi32>], vector<16xf32>,
        %scan3A_303 = arith.constant 3 : i32
        %scan3A_304 = arith.addi %scan3A_234, %scan3A_303 : i32
        %broadcast_in_dim3A_305 = vector.broadcast %scan3A_304 : i32 to vector<16xi32>
        %gather3A_306 = arith.constant 0 : i32
        %gather3A_307 = arith.constant 0 : i32
        %gather3A_308 = tpu.memref_slice %arg14[%select_n3A_136, %gather3A_306, %gather3A_307] : memref<2x16x81xf32, #tpu.memory_space<vmem>> -> memref<1x16x81xf32, #tpu.memory_space<vmem>>
        %gather3A_309 = tpu.memref_squeeze %gather3A_308 : memref<1x16x81xf32, #tpu.memory_space<vmem>> -> memref<16x81xf32, #tpu.memory_space<vmem>>
        %gather3A_310 = tpu.vector_load_idx %gather3A_309[%iota3A, %broadcast_in_dim3A_305] : memref<16x81xf32, #tpu.memory_space<vmem>>[vector<16xi32>, vector<16xi32>], vector<16xf32>,
        %get3A_311 = arith.index_cast %select_n3A_136 : i32 to index
        %get3A_312 = arith.index_cast %scan3A_304 : i32 to index
        %get3A_313 = arith.constant 0 : index
        %get3A_314 = tpu.vector_load %arg12[%get3A_311, %get3A_312, %get3A_313] {strides = array<i32>} : memref<2x80x16xf32, #tpu.memory_space<vmem>>, vector<16xf32>,
        %get3A_315 = arith.index_cast %select_n3A_136 : i32 to index
        %get3A_316 = arith.index_cast %scan3A_304 : i32 to index
        %get3A_317 = arith.constant 0 : index
        %get3A_318 = tpu.vector_load %arg13[%get3A_315, %get3A_316, %get3A_317] {strides = array<i32>} : memref<2x80x16xf32, #tpu.memory_space<vmem>>, vector<16xf32>,
        %add3A_319 = arith.addf %get3A_314, %get3A_318 : vector<16xf32>
        %add3A_320 = arith.addf %add3A_319, %gather3A_310 : vector<16xf32>
        %swap3A_321 = arith.index_cast %scan3A_304 : i32 to index
        %swap3A_322 = arith.constant 0 : index
        %swap3A_323 = tpu.vector_load %arg15[%swap3A_321, %swap3A_322] {strides = array<i32>} : memref<80x16xf32, #tpu.memory_space<vmem>>, vector<16xf32>,
        tpu.vector_store %arg15[%swap3A_321, %swap3A_322], %add3A_320 {strides = array<i32>} : memref<80x16xf32, #tpu.memory_space<vmem>>, vector<16xf32>,
        %scatter3A_324 = arith.constant 0 : i32
        %scatter3A_325 = arith.constant 0 : i32
        %scatter3A_326 = tpu.memref_slice %arg16[%select_n3A_136, %scatter3A_324, %scatter3A_325] : memref<2x16x81xf32, #tpu.memory_space<vmem>> -> memref<1x16x81xf32, #tpu.memory_space<vmem>>
        %scatter3A_327 = tpu.memref_squeeze %scatter3A_326 : memref<1x16x81xf32, #tpu.memory_space<vmem>> -> memref<16x81xf32, #tpu.memory_space<vmem>>
        tpu.vector_store_idx %scatter3A_327[%iota3A, %broadcast_in_dim3A_305], %add3A_320 : memref<16x81xf32, #tpu.memory_space<vmem>>[vector<16xi32>, vector<16xi32>], vector<16xf32>,
        %scan3A_328 = arith.constant 4 : i32
        %scan3A_329 = arith.addi %scan3A_234, %scan3A_328 : i32
        %broadcast_in_dim3A_330 = vector.broadcast %scan3A_329 : i32 to vector<16xi32>
        %gather3A_331 = arith.constant 0 : i32
        %gather3A_332 = arith.constant 0 : i32
        %gather3A_333 = tpu.memref_slice %arg14[%select_n3A_136, %gather3A_331, %gather3A_332] : memref<2x16x81xf32, #tpu.memory_space<vmem>> -> memref<1x16x81xf32, #tpu.memory_space<vmem>>
        %gather3A_334 = tpu.memref_squeeze %gather3A_333 : memref<1x16x81xf32, #tpu.memory_space<vmem>> -> memref<16x81xf32, #tpu.memory_space<vmem>>
        %gather3A_335 = tpu.vector_load_idx %gather3A_334[%iota3A, %broadcast_in_dim3A_330] : memref<16x81xf32, #tpu.memory_space<vmem>>[vector<16xi32>, vector<16xi32>], vector<16xf32>,
        %get3A_336 = arith.index_cast %select_n3A_136 : i32 to index
        %get3A_337 = arith.index_cast %scan3A_329 : i32 to index
        %get3A_338 = arith.constant 0 : index
        %get3A_339 = tpu.vector_load %arg12[%get3A_336, %get3A_337, %get3A_338] {strides = array<i32>} : memref<2x80x16xf32, #tpu.memory_space<vmem>>, vector<16xf32>,
        %get3A_340 = arith.index_cast %select_n3A_136 : i32 to index
        %get3A_341 = arith.index_cast %scan3A_329 : i32 to index
        %get3A_342 = arith.constant 0 : index
        %get3A_343 = tpu.vector_load %arg13[%get3A_340, %get3A_341, %get3A_342] {strides = array<i32>} : memref<2x80x16xf32, #tpu.memory_space<vmem>>, vector<16xf32>,
        %add3A_344 = arith.addf %get3A_339, %get3A_343 : vector<16xf32>
        %add3A_345 = arith.addf %add3A_344, %gather3A_335 : vector<16xf32>
        %swap3A_346 = arith.index_cast %scan3A_329 : i32 to index
        %swap3A_347 = arith.constant 0 : index
        %swap3A_348 = tpu.vector_load %arg15[%swap3A_346, %swap3A_347] {strides = array<i32>} : memref<80x16xf32, #tpu.memory_space<vmem>>, vector<16xf32>,
        tpu.vector_store %arg15[%swap3A_346, %swap3A_347], %add3A_345 {strides = array<i32>} : memref<80x16xf32, #tpu.memory_space<vmem>>, vector<16xf32>,
        %scatter3A_349 = arith.constant 0 : i32
        %scatter3A_350 = arith.constant 0 : i32
        %scatter3A_351 = tpu.memref_slice %arg16[%select_n3A_136, %scatter3A_349, %scatter3A_350] : memref<2x16x81xf32, #tpu.memory_space<vmem>> -> memref<1x16x81xf32, #tpu.memory_space<vmem>>
        %scatter3A_352 = tpu.memref_squeeze %scatter3A_351 : memref<1x16x81xf32, #tpu.memory_space<vmem>> -> memref<16x81xf32, #tpu.memory_space<vmem>>
        tpu.vector_store_idx %scatter3A_352[%iota3A, %broadcast_in_dim3A_330], %add3A_345 : memref<16x81xf32, #tpu.memory_space<vmem>>[vector<16xi32>, vector<16xi32>], vector<16xf32>,
        %scan3A_353 = arith.constant 5 : i32
        %scan3A_354 = arith.addi %scan3A_234, %scan3A_353 : i32
        %broadcast_in_dim3A_355 = vector.broadcast %scan3A_354 : i32 to vector<16xi32>
        %gather3A_356 = arith.constant 0 : i32
        %gather3A_357 = arith.constant 0 : i32
        %gather3A_358 = tpu.memref_slice %arg14[%select_n3A_136, %gather3A_356, %gather3A_357] : memref<2x16x81xf32, #tpu.memory_space<vmem>> -> memref<1x16x81xf32, #tpu.memory_space<vmem>>
        %gather3A_359 = tpu.memref_squeeze %gather3A_358 : memref<1x16x81xf32, #tpu.memory_space<vmem>> -> memref<16x81xf32, #tpu.memory_space<vmem>>
        %gather3A_360 = tpu.vector_load_idx %gather3A_359[%iota3A, %broadcast_in_dim3A_355] : memref<16x81xf32, #tpu.memory_space<vmem>>[vector<16xi32>, vector<16xi32>], vector<16xf32>,
        %get3A_361 = arith.index_cast %select_n3A_136 : i32 to index
        %get3A_362 = arith.index_cast %scan3A_354 : i32 to index
        %get3A_363 = arith.constant 0 : index
        %get3A_364 = tpu.vector_load %arg12[%get3A_361, %get3A_362, %get3A_363] {strides = array<i32>} : memref<2x80x16xf32, #tpu.memory_space<vmem>>, vector<16xf32>,
        %get3A_365 = arith.index_cast %select_n3A_136 : i32 to index
        %get3A_366 = arith.index_cast %scan3A_354 : i32 to index
        %get3A_367 = arith.constant 0 : index
        %get3A_368 = tpu.vector_load %arg13[%get3A_365, %get3A_366, %get3A_367] {strides = array<i32>} : memref<2x80x16xf32, #tpu.memory_space<vmem>>, vector<16xf32>,
        %add3A_369 = arith.addf %get3A_364, %get3A_368 : vector<16xf32>
        %add3A_370 = arith.addf %add3A_369, %gather3A_360 : vector<16xf32>
        %swap3A_371 = arith.index_cast %scan3A_354 : i32 to index
        %swap3A_372 = arith.constant 0 : index
        %swap3A_373 = tpu.vector_load %arg15[%swap3A_371, %swap3A_372] {strides = array<i32>} : memref<80x16xf32, #tpu.memory_space<vmem>>, vector<16xf32>,
        tpu.vector_store %arg15[%swap3A_371, %swap3A_372], %add3A_370 {strides = array<i32>} : memref<80x16xf32, #tpu.memory_space<vmem>>, vector<16xf32>,
        %scatter3A_374 = arith.constant 0 : i32
        %scatter3A_375 = arith.constant 0 : i32
        %scatter3A_376 = tpu.memref_slice %arg16[%select_n3A_136, %scatter3A_374, %scatter3A_375] : memref<2x16x81xf32, #tpu.memory_space<vmem>> -> memref<1x16x81xf32, #tpu.memory_space<vmem>>
        %scatter3A_377 = tpu.memref_squeeze %scatter3A_376 : memref<1x16x81xf32, #tpu.memory_space<vmem>> -> memref<16x81xf32, #tpu.memory_space<vmem>>
        tpu.vector_store_idx %scatter3A_377[%iota3A, %broadcast_in_dim3A_355], %add3A_370 : memref<16x81xf32, #tpu.memory_space<vmem>>[vector<16xi32>, vector<16xi32>], vector<16xf32>,
        %scan3A_378 = arith.constant 6 : i32
        %scan3A_379 = arith.addi %scan3A_234, %scan3A_378 : i32
        %broadcast_in_dim3A_380 = vector.broadcast %scan3A_379 : i32 to vector<16xi32>
        %gather3A_381 = arith.constant 0 : i32
        %gather3A_382 = arith.constant 0 : i32
        %gather3A_383 = tpu.memref_slice %arg14[%select_n3A_136, %gather3A_381, %gather3A_382] : memref<2x16x81xf32, #tpu.memory_space<vmem>> -> memref<1x16x81xf32, #tpu.memory_space<vmem>>
        %gather3A_384 = tpu.memref_squeeze %gather3A_383 : memref<1x16x81xf32, #tpu.memory_space<vmem>> -> memref<16x81xf32, #tpu.memory_space<vmem>>
        %gather3A_385 = tpu.vector_load_idx %gather3A_384[%iota3A, %broadcast_in_dim3A_380] : memref<16x81xf32, #tpu.memory_space<vmem>>[vector<16xi32>, vector<16xi32>], vector<16xf32>,
        %get3A_386 = arith.index_cast %select_n3A_136 : i32 to index
        %get3A_387 = arith.index_cast %scan3A_379 : i32 to index
        %get3A_388 = arith.constant 0 : index
        %get3A_389 = tpu.vector_load %arg12[%get3A_386, %get3A_387, %get3A_388] {strides = array<i32>} : memref<2x80x16xf32, #tpu.memory_space<vmem>>, vector<16xf32>,
        %get3A_390 = arith.index_cast %select_n3A_136 : i32 to index
        %get3A_391 = arith.index_cast %scan3A_379 : i32 to index
        %get3A_392 = arith.constant 0 : index
        %get3A_393 = tpu.vector_load %arg13[%get3A_390, %get3A_391, %get3A_392] {strides = array<i32>} : memref<2x80x16xf32, #tpu.memory_space<vmem>>, vector<16xf32>,
        %add3A_394 = arith.addf %get3A_389, %get3A_393 : vector<16xf32>
        %add3A_395 = arith.addf %add3A_394, %gather3A_385 : vector<16xf32>
        %swap3A_396 = arith.index_cast %scan3A_379 : i32 to index
        %swap3A_397 = arith.constant 0 : index
        %swap3A_398 = tpu.vector_load %arg15[%swap3A_396, %swap3A_397] {strides = array<i32>} : memref<80x16xf32, #tpu.memory_space<vmem>>, vector<16xf32>,
        tpu.vector_store %arg15[%swap3A_396, %swap3A_397], %add3A_395 {strides = array<i32>} : memref<80x16xf32, #tpu.memory_space<vmem>>, vector<16xf32>,
        %scatter3A_399 = arith.constant 0 : i32
        %scatter3A_400 = arith.constant 0 : i32
        %scatter3A_401 = tpu.memref_slice %arg16[%select_n3A_136, %scatter3A_399, %scatter3A_400] : memref<2x16x81xf32, #tpu.memory_space<vmem>> -> memref<1x16x81xf32, #tpu.memory_space<vmem>>
        %scatter3A_402 = tpu.memref_squeeze %scatter3A_401 : memref<1x16x81xf32, #tpu.memory_space<vmem>> -> memref<16x81xf32, #tpu.memory_space<vmem>>
        tpu.vector_store_idx %scatter3A_402[%iota3A, %broadcast_in_dim3A_380], %add3A_395 : memref<16x81xf32, #tpu.memory_space<vmem>>[vector<16xi32>, vector<16xi32>], vector<16xf32>,
        %scan3A_403 = arith.constant 7 : i32
        %scan3A_404 = arith.addi %scan3A_234, %scan3A_403 : i32
        %broadcast_in_dim3A_405 = vector.broadcast %scan3A_404 : i32 to vector<16xi32>
        %gather3A_406 = arith.constant 0 : i32
        %gather3A_407 = arith.constant 0 : i32
        %gather3A_408 = tpu.memref_slice %arg14[%select_n3A_136, %gather3A_406, %gather3A_407] : memref<2x16x81xf32, #tpu.memory_space<vmem>> -> memref<1x16x81xf32, #tpu.memory_space<vmem>>
        %gather3A_409 = tpu.memref_squeeze %gather3A_408 : memref<1x16x81xf32, #tpu.memory_space<vmem>> -> memref<16x81xf32, #tpu.memory_space<vmem>>
        %gather3A_410 = tpu.vector_load_idx %gather3A_409[%iota3A, %broadcast_in_dim3A_405] : memref<16x81xf32, #tpu.memory_space<vmem>>[vector<16xi32>, vector<16xi32>], vector<16xf32>,
        %get3A_411 = arith.index_cast %select_n3A_136 : i32 to index
        %get3A_412 = arith.index_cast %scan3A_404 : i32 to index
        %get3A_413 = arith.constant 0 : index
        %get3A_414 = tpu.vector_load %arg12[%get3A_411, %get3A_412, %get3A_413] {strides = array<i32>} : memref<2x80x16xf32, #tpu.memory_space<vmem>>, vector<16xf32>,
        %get3A_415 = arith.index_cast %select_n3A_136 : i32 to index
        %get3A_416 = arith.index_cast %scan3A_404 : i32 to index
        %get3A_417 = arith.constant 0 : index
        %get3A_418 = tpu.vector_load %arg13[%get3A_415, %get3A_416, %get3A_417] {strides = array<i32>} : memref<2x80x16xf32, #tpu.memory_space<vmem>>, vector<16xf32>,
        %add3A_419 = arith.addf %get3A_414, %get3A_418 : vector<16xf32>
        %add3A_420 = arith.addf %add3A_419, %gather3A_410 : vector<16xf32>
        %swap3A_421 = arith.index_cast %scan3A_404 : i32 to index
        %swap3A_422 = arith.constant 0 : index
        %swap3A_423 = tpu.vector_load %arg15[%swap3A_421, %swap3A_422] {strides = array<i32>} : memref<80x16xf32, #tpu.memory_space<vmem>>, vector<16xf32>,
        tpu.vector_store %arg15[%swap3A_421, %swap3A_422], %add3A_420 {strides = array<i32>} : memref<80x16xf32, #tpu.memory_space<vmem>>, vector<16xf32>,
        %scatter3A_424 = arith.constant 0 : i32
        %scatter3A_425 = arith.constant 0 : i32
        %scatter3A_426 = tpu.memref_slice %arg16[%select_n3A_136, %scatter3A_424, %scatter3A_425] : memref<2x16x81xf32, #tpu.memory_space<vmem>> -> memref<1x16x81xf32, #tpu.memory_space<vmem>>
        %scatter3A_427 = tpu.memref_squeeze %scatter3A_426 : memref<1x16x81xf32, #tpu.memory_space<vmem>> -> memref<16x81xf32, #tpu.memory_space<vmem>>
        tpu.vector_store_idx %scatter3A_427[%iota3A, %broadcast_in_dim3A_405], %add3A_420 : memref<16x81xf32, #tpu.memory_space<vmem>>[vector<16xi32>, vector<16xi32>], vector<16xf32>,
      }
      %scan3A_195 = arith.constant 80 : i32
      %mul3A_196 = arith.constant 80 : i32
      %mul3A_197 = arith.muli %scan3A_127, %mul3A_196 : i32
      %add3A_198 = arith.addi %mul3A_2, %mul3A_197 : i32
      %jit3A_199 = arith.constant 2 : i32
      %eq3A_200 = arith.constant 0 : i32
      %eq3A_201 = arith.cmpi eq, %jit3A_199, %eq3A_200 : i32
      %jit3A_202 = arith.constant 1 : i32
      %select_n3A_203 = arith.select %eq3A_201, %jit3A_202, %jit3A_199 : i32
      %rem3A_204 = arith.remsi %scan3A_127, %select_n3A_203 : i32
      %ne3A_205 = arith.constant 0 : i32
      %ne3A_206 = arith.cmpi ne, %rem3A_204, %ne3A_205 : i32
      %lt3A_207 = arith.constant 0 : i32
      %lt3A_208 = arith.cmpi slt, %rem3A_204, %lt3A_207 : i32
      %lt3A_209 = arith.constant 0 : i32
      %lt3A_210 = arith.cmpi slt, %select_n3A_203, %lt3A_209 : i32
      %ne3A_211 = arith.xori %lt3A_208, %lt3A_210 : i1
      %and3A_212 = arith.andi %ne3A_211, %ne3A_206 : i1
      %add3A_213 = arith.addi %rem3A_204, %select_n3A_203 : i32
      %select_n3A_214 = arith.select %and3A_212, %add3A_213, %rem3A_204 : i32
      %dma_start3A_215 = arith.constant 0 : i32
      %dma_start3A_216 = arith.constant 0 : i32
      %dma_start3A_217 = tpu.memref_slice %arg16[%select_n3A_214, %dma_start3A_215, %dma_start3A_216] : memref<2x16x81xf32, #tpu.memory_space<vmem>> -> memref<1x16x80xf32, #tpu.memory_space<vmem>>
      %dma_start3A_218 = tpu.memref_squeeze %dma_start3A_217 : memref<1x16x80xf32, #tpu.memory_space<vmem>> -> memref<16x80xf32, #tpu.memory_space<vmem>>
      %dma_start3A_219 = arith.constant 0 : i32
      %dma_start3A_220 = tpu.memref_slice %arg8[%dma_start3A_219, %add3A_198] : memref<16x320000xf32, #tpu.memory_space<hbm>> -> memref<16x80xf32, #tpu.memory_space<hbm>>
      %dma_start3A_221 = arith.constant 0 : i32
      %dma_start3A_222 = tpu.memref_slice %arg8[%dma_start3A_221, %add3A_198] : memref<16x320000xf32, #tpu.memory_space<hbm>> -> memref<16x80xf32, #tpu.memory_space<hbm>>
      %dma_start3A_223 = arith.constant 0 : i32
      %dma_start3A_224 = arith.constant 0 : i32
      %dma_start3A_225 = tpu.memref_slice %arg16[%select_n3A_214, %dma_start3A_223, %dma_start3A_224] : memref<2x16x81xf32, #tpu.memory_space<vmem>> -> memref<1x16x80xf32, #tpu.memory_space<vmem>>
      %dma_start3A_226 = tpu.memref_squeeze %dma_start3A_225 : memref<1x16x80xf32, #tpu.memory_space<vmem>> -> memref<16x80xf32, #tpu.memory_space<vmem>>
      tpu.enqueue_dma source(%dma_start3A_226 : memref<16x80xf32, #tpu.memory_space<vmem>>) target(%dma_start3A_222 : memref<16x80xf32, #tpu.memory_space<hbm>>) target_semaphore(%arg19 : memref<!tpu.dma_semaphore, #tpu.memory_space<semaphore_mem>>)
      %add3A_227 = arith.constant 2 : i32
      %add3A_228 = arith.addi %scan3A_127, %add3A_227 : i32
      %lt3A_229 = arith.constant 125 : i32
      %lt3A_230 = arith.cmpi slt, %add3A_228, %lt3A_229 : i32
      %convert_element_type3A_231 = arith.extui %lt3A_230 : i1 to i32
      %cond3A_232 = arith.constant 0 : i32
      %cond3A_233 = arith.cmpi ne, %convert_element_type3A_231, %cond3A_232 : i32
      scf.if %cond3A_233 {
        %add3A_234 = arith.constant 2 : i32
        %add3A_235 = arith.addi %scan3A_127, %add3A_234 : i32
        %mul3A_236 = arith.constant 80 : i32
        %mul3A_237 = arith.muli %add3A_235, %mul3A_236 : i32
        %add3A_238 = arith.addi %mul3A_2, %mul3A_237 : i32
        %jit3A_239 = arith.constant 2 : i32
        %eq3A_240 = arith.constant 0 : i32
        %eq3A_241 = arith.cmpi eq, %jit3A_239, %eq3A_240 : i32
        %jit3A_242 = arith.constant 1 : i32
        %select_n3A_243 = arith.select %eq3A_241, %jit3A_242, %jit3A_239 : i32
        %rem3A_244 = arith.remsi %add3A_235, %select_n3A_243 : i32
        %ne3A_245 = arith.constant 0 : i32
        %ne3A_246 = arith.cmpi ne, %rem3A_244, %ne3A_245 : i32
        %lt3A_247 = arith.constant 0 : i32
        %lt3A_248 = arith.cmpi slt, %rem3A_244, %lt3A_247 : i32
        %lt3A_249 = arith.constant 0 : i32
        %lt3A_250 = arith.cmpi slt, %select_n3A_243, %lt3A_249 : i32
        %ne3A_251 = arith.xori %lt3A_248, %lt3A_250 : i1
        %and3A_252 = arith.andi %ne3A_251, %ne3A_246 : i1
        %add3A_253 = arith.addi %rem3A_244, %select_n3A_243 : i32
        %select_n3A_254 = arith.select %and3A_252, %add3A_253, %rem3A_244 : i32
        %dma_start3A_255 = arith.constant 0 : i32
        %dma_start3A_256 = arith.constant 0 : i32
        %dma_start3A_257 = tpu.memref_slice %arg12[%select_n3A_254, %dma_start3A_255, %dma_start3A_256] : memref<2x80x16xf32, #tpu.memory_space<vmem>> -> memref<1x80x16xf32, #tpu.memory_space<vmem>>
        %dma_start3A_258 = tpu.memref_squeeze %dma_start3A_257 : memref<1x80x16xf32, #tpu.memory_space<vmem>> -> memref<80x16xf32, #tpu.memory_space<vmem>>
        %dma_start3A_259 = arith.constant 0 : i32
        %dma_start3A_260 = tpu.memref_slice %arg10[%add3A_235, %dma_start3A_259] : memref<125x80xi32, #tpu.memory_space<vmem>> -> memref<1x80xi32, #tpu.memory_space<vmem>>
        %dma_start3A_261 = tpu.memref_squeeze %dma_start3A_260 : memref<1x80xi32, #tpu.memory_space<vmem>> -> memref<80xi32, #tpu.memory_space<vmem>>
        %dma_start3A_262 = arith.constant 0 : i32
        %dma_start3A_263 = arith.constant 0 : i32
        %dma_start3A_264 = tpu.memref_slice %arg2[%dma_start3A_262, %dma_start3A_263] : memref<10000x16xf32, #tpu.memory_space<hbm>> -> memref<10000x16xf32, #tpu.memory_space<hbm>>
        tpu.enqueue_indirect_dma source(%dma_start3A_264 : memref<10000x16xf32, #tpu.memory_space<hbm>>) target(%dma_start3A_258 : memref<80x16xf32, #tpu.memory_space<vmem>>) offsets(%dma_start3A_261 : memref<80xi32, #tpu.memory_space<vmem>>) semaphore(%arg18 : memref<!tpu.dma_semaphore, #tpu.memory_space<semaphore_mem>>)
        %dma_start3A_265 = arith.constant 0 : i32
        %dma_start3A_266 = arith.constant 0 : i32
        %dma_start3A_267 = tpu.memref_slice %arg13[%select_n3A_254, %dma_start3A_265, %dma_start3A_266] : memref<2x80x16xf32, #tpu.memory_space<vmem>> -> memref<1x80x16xf32, #tpu.memory_space<vmem>>
        %dma_start3A_268 = tpu.memref_squeeze %dma_start3A_267 : memref<1x80x16xf32, #tpu.memory_space<vmem>> -> memref<80x16xf32, #tpu.memory_space<vmem>>
        %dma_start3A_269 = arith.constant 0 : i32
        %dma_start3A_270 = tpu.memref_slice %arg11[%add3A_235, %dma_start3A_269] : memref<125x80xi32, #tpu.memory_space<vmem>> -> memref<1x80xi32, #tpu.memory_space<vmem>>
        %dma_start3A_271 = tpu.memref_squeeze %dma_start3A_270 : memref<1x80xi32, #tpu.memory_space<vmem>> -> memref<80xi32, #tpu.memory_space<vmem>>
        %dma_start3A_272 = arith.constant 0 : i32
        %dma_start3A_273 = arith.constant 0 : i32
        %dma_start3A_274 = tpu.memref_slice %arg3[%dma_start3A_272, %dma_start3A_273] : memref<10000x16xf32, #tpu.memory_space<hbm>> -> memref<10000x16xf32, #tpu.memory_space<hbm>>
        tpu.enqueue_indirect_dma source(%dma_start3A_274 : memref<10000x16xf32, #tpu.memory_space<hbm>>) target(%dma_start3A_268 : memref<80x16xf32, #tpu.memory_space<vmem>>) offsets(%dma_start3A_271 : memref<80xi32, #tpu.memory_space<vmem>>) semaphore(%arg18 : memref<!tpu.dma_semaphore, #tpu.memory_space<semaphore_mem>>)
        %dma_start3A_275 = arith.constant 0 : i32
        %dma_start3A_276 = arith.constant 0 : i32
        %dma_start3A_277 = tpu.memref_slice %arg14[%select_n3A_254, %dma_start3A_275, %dma_start3A_276] : memref<2x16x81xf32, #tpu.memory_space<vmem>> -> memref<1x16x80xf32, #tpu.memory_space<vmem>>
        %dma_start3A_278 = tpu.memref_squeeze %dma_start3A_277 : memref<1x16x80xf32, #tpu.memory_space<vmem>> -> memref<16x80xf32, #tpu.memory_space<vmem>>
        %dma_start3A_279 = arith.constant 0 : i32
        %dma_start3A_280 = tpu.memref_slice %arg4[%dma_start3A_279, %add3A_238] : memref<16x320000xf32, #tpu.memory_space<hbm>> -> memref<16x80xf32, #tpu.memory_space<hbm>>
        %dma_start3A_281 = arith.constant 0 : i32
        %dma_start3A_282 = arith.constant 0 : i32
        %dma_start3A_283 = tpu.memref_slice %arg14[%select_n3A_254, %dma_start3A_281, %dma_start3A_282] : memref<2x16x81xf32, #tpu.memory_space<vmem>> -> memref<1x16x80xf32, #tpu.memory_space<vmem>>
        %dma_start3A_284 = tpu.memref_squeeze %dma_start3A_283 : memref<1x16x80xf32, #tpu.memory_space<vmem>> -> memref<16x80xf32, #tpu.memory_space<vmem>>
        %dma_start3A_285 = arith.constant 0 : i32
        %dma_start3A_286 = tpu.memref_slice %arg4[%dma_start3A_285, %add3A_238] : memref<16x320000xf32, #tpu.memory_space<hbm>> -> memref<16x80xf32, #tpu.memory_space<hbm>>
        tpu.enqueue_dma source(%dma_start3A_286 : memref<16x80xf32, #tpu.memory_space<hbm>>) target(%dma_start3A_284 : memref<16x80xf32, #tpu.memory_space<vmem>>) target_semaphore(%arg18 : memref<!tpu.dma_semaphore, #tpu.memory_space<semaphore_mem>>)
      } else {
      }
      "tpu.region"() ({
        %run_scoped3A = tpu.sem_alloc : memref<!tpu.dma_semaphore, #tpu.memory_space<semaphore_mem>>
        %dma_start3A_234 = arith.constant 0 : i32
        %dma_start3A_235 = tpu.memref_slice %arg11[%scan3A_127, %dma_start3A_234] : memref<125x80xi32, #tpu.memory_space<vmem>> -> memref<1x80xi32, #tpu.memory_space<vmem>>
        %dma_start3A_236 = tpu.memref_squeeze %dma_start3A_235 : memref<1x80xi32, #tpu.memory_space<vmem>> -> memref<80xi32, #tpu.memory_space<vmem>>
        %dma_start3A_237 = arith.constant 0 : i32
        %dma_start3A_238 = arith.constant 0 : i32
        %dma_start3A_239 = tpu.memref_slice %arg17[%dma_start3A_237, %dma_start3A_238] : memref<10240x16xf32, #tpu.memory_space<vmem_shared>> -> memref<10240x16xf32, #tpu.memory_space<vmem_shared>>
        tpu.enqueue_indirect_dma source(%arg15 : memref<80x16xf32, #tpu.memory_space<vmem>>) target(%dma_start3A_239 : memref<10240x16xf32, #tpu.memory_space<vmem_shared>>) offsets(%dma_start3A_236 : memref<80xi32, #tpu.memory_space<vmem>>) semaphore(%run_scoped3A : memref<!tpu.dma_semaphore, #tpu.memory_space<semaphore_mem>>) {add = true}
        %dma_wait3A_240 = arith.constant 0 : i32
        %dma_wait3A_241 = tpu.memref_slice %arg11[%scan3A_127, %dma_wait3A_240] : memref<125x80xi32, #tpu.memory_space<vmem>> -> memref<1x80xi32, #tpu.memory_space<vmem>>
        %dma_wait3A_242 = tpu.memref_squeeze %dma_wait3A_241 : memref<1x80xi32, #tpu.memory_space<vmem>> -> memref<80xi32, #tpu.memory_space<vmem>>
        %dma_wait3A_243 = arith.constant 0 : i32
        %dma_wait3A_244 = arith.constant 0 : i32
        %dma_wait3A_245 = tpu.memref_slice %arg17[%dma_wait3A_243, %dma_wait3A_244] : memref<10240x16xf32, #tpu.memory_space<vmem_shared>> -> memref<10240x16xf32, #tpu.memory_space<vmem_shared>>
        tpu.wait_indirect_dma semaphore(%run_scoped3A : memref<!tpu.dma_semaphore, #tpu.memory_space<semaphore_mem>>) src(%arg15 : memref<80x16xf32, #tpu.memory_space<vmem>>) dst(%dma_wait3A_245 : memref<10240x16xf32, #tpu.memory_space<vmem_shared>>)
        tpu.yield
      }) : () -> ()
    }
    %scan3A_92 = arith.constant 125 : i32
    %add3A_93 = arith.constant 9840 : i32
    %add3A_94 = arith.addi %mul3A_2, %add3A_93 : i32
    %dma_wait3A = arith.constant 1 : i32
    %dma_wait3A_95 = arith.constant 0 : i32
    %dma_wait3A_96 = arith.constant 0 : i32
    %dma_wait3A_97 = tpu.memref_slice %arg16[%dma_wait3A, %dma_wait3A_95, %dma_wait3A_96] : memref<2x16x81xf32, #tpu.memory_space<vmem>> -> memref<1x16x80xf32, #tpu.memory_space<vmem>>
    %dma_wait3A_98 = tpu.memref_squeeze %dma_wait3A_97 : memref<1x16x80xf32, #tpu.memory_space<vmem>> -> memref<16x80xf32, #tpu.memory_space<vmem>>
    %dma_wait3A_99 = arith.constant 0 : i32
    %dma_wait3A_100 = tpu.memref_slice %arg8[%dma_wait3A_99, %add3A_94] : memref<16x320000xf32, #tpu.memory_space<hbm>> -> memref<16x80xf32, #tpu.memory_space<hbm>>
    %dma_wait3A_101 = arith.constant 0 : i32
    %dma_wait3A_102 = tpu.memref_slice %arg8[%dma_wait3A_101, %add3A_94] : memref<16x320000xf32, #tpu.memory_space<hbm>> -> memref<16x80xf32, #tpu.memory_space<hbm>>
    %dma_wait3A_103 = arith.constant 0 : i32
    %dma_wait3A_104 = arith.constant 0 : i32
    %dma_wait3A_105 = tpu.memref_slice %arg16[%dma_wait3A, %dma_wait3A_103, %dma_wait3A_104] : memref<2x16x81xf32, #tpu.memory_space<vmem>> -> memref<1x16x80xf32, #tpu.memory_space<vmem>>
    %dma_wait3A_106 = tpu.memref_squeeze %dma_wait3A_105 : memref<1x16x80xf32, #tpu.memory_space<vmem>> -> memref<16x80xf32, #tpu.memory_space<vmem>>
    tpu.wait_dma2 semaphore(%arg19 : memref<!tpu.dma_semaphore, #tpu.memory_space<semaphore_mem>>) src(%dma_wait3A_106 : memref<16x80xf32, #tpu.memory_space<vmem>>) dst(%dma_wait3A_102 : memref<16x80xf32, #tpu.memory_space<hbm>>)
    %add3A_107 = arith.constant 9920 : i32
    %add3A_108 = arith.addi %mul3A_2, %add3A_107 : i32
    %dma_wait3A_109 = arith.constant 0 : i32
    %dma_wait3A_110 = arith.constant 0 : i32
    %dma_wait3A_111 = arith.constant 0 : i32
    %dma_wait3A_112 = tpu.memref_slice %arg16[%dma_wait3A_109, %dma_wait3A_110, %dma_wait3A_111] : memref<2x16x81xf32, #tpu.memory_space<vmem>> -> memref<1x16x80xf32, #tpu.memory_space<vmem>>
    %dma_wait3A_113 = tpu.memref_squeeze %dma_wait3A_112 : memref<1x16x80xf32, #tpu.memory_space<vmem>> -> memref<16x80xf32, #tpu.memory_space<vmem>>
    %dma_wait3A_114 = arith.constant 0 : i32
    %dma_wait3A_115 = tpu.memref_slice %arg8[%dma_wait3A_114, %add3A_108] : memref<16x320000xf32, #tpu.memory_space<hbm>> -> memref<16x80xf32, #tpu.memory_space<hbm>>
    %dma_wait3A_116 = arith.constant 0 : i32
    %dma_wait3A_117 = tpu.memref_slice %arg8[%dma_wait3A_116, %add3A_108] : memref<16x320000xf32, #tpu.memory_space<hbm>> -> memref<16x80xf32, #tpu.memory_space<hbm>>
    %dma_wait3A_118 = arith.constant 0 : i32
    %dma_wait3A_119 = arith.constant 0 : i32
    %dma_wait3A_120 = tpu.memref_slice %arg16[%dma_wait3A_109, %dma_wait3A_118, %dma_wait3A_119] : memref<2x16x81xf32, #tpu.memory_space<vmem>> -> memref<1x16x80xf32, #tpu.memory_space<vmem>>
    %dma_wait3A_121 = tpu.memref_squeeze %dma_wait3A_120 : memref<1x16x80xf32, #tpu.memory_space<vmem>> -> memref<16x80xf32, #tpu.memory_space<vmem>>
    tpu.wait_dma2 semaphore(%arg19 : memref<!tpu.dma_semaphore, #tpu.memory_space<semaphore_mem>>) src(%dma_wait3A_121 : memref<16x80xf32, #tpu.memory_space<vmem>>) dst(%dma_wait3A_117 : memref<16x80xf32, #tpu.memory_space<hbm>>)
    %barrier3A_122 = arith.constant 0 : index
    tpu.barrier barrier_id(%barrier3A_122)
    %mul3A_123 = arith.constant 640 : i32
    %mul3A_124 = arith.muli %arg1, %mul3A_123 : i32
    %mul3A_125 = arith.constant 640 : i32
    %mul3A_126 = arith.muli %arg1, %mul3A_125 : i32
    "tpu.region"() ({
      %run_scoped3A = tpu.sem_alloc : memref<!tpu.dma_semaphore, #tpu.memory_space<semaphore_mem>>
      %dma_start3A_127 = arith.constant 0 : i32
      %dma_start3A_128 = tpu.memref_slice %arg9[%arg0, %mul3A_126, %dma_start3A_127] : memref<2x10240x16xf32, #tpu.memory_space<hbm>> -> memref<1x640x16xf32, #tpu.memory_space<hbm>>
      %dma_start3A_129 = tpu.memref_squeeze %dma_start3A_128 : memref<1x640x16xf32, #tpu.memory_space<hbm>> -> memref<640x16xf32, #tpu.memory_space<hbm>>
      %dma_start3A_130 = arith.constant 0 : i32
      %dma_start3A_131 = tpu.memref_slice %arg17[%mul3A_124, %dma_start3A_130] : memref<10240x16xf32, #tpu.memory_space<vmem_shared>> -> memref<640x16xf32, #tpu.memory_space<vmem_shared>>
      tpu.enqueue_dma source(%dma_start3A_131 : memref<640x16xf32, #tpu.memory_space<vmem_shared>>) target(%dma_start3A_129 : memref<640x16xf32, #tpu.memory_space<hbm>>) target_semaphore(%run_scoped3A : memref<!tpu.dma_semaphore, #tpu.memory_space<semaphore_mem>>)
      %dma_wait3A_132 = arith.constant 0 : i32
      %dma_wait3A_133 = tpu.memref_slice %arg9[%arg0, %mul3A_126, %dma_wait3A_132] : memref<2x10240x16xf32, #tpu.memory_space<hbm>> -> memref<1x640x16xf32, #tpu.memory_space<hbm>>
      %dma_wait3A_134 = tpu.memref_squeeze %dma_wait3A_133 : memref<1x640x16xf32, #tpu.memory_space<hbm>> -> memref<640x16xf32, #tpu.memory_space<hbm>>
      %dma_wait3A_135 = arith.constant 0 : i32
      %dma_wait3A_136 = tpu.memref_slice %arg17[%mul3A_124, %dma_wait3A_135] : memref<10240x16xf32, #tpu.memory_space<vmem_shared>> -> memref<640x16xf32, #tpu.memory_space<vmem_shared>>
      tpu.wait_dma2 semaphore(%run_scoped3A : memref<!tpu.dma_semaphore, #tpu.memory_space<semaphore_mem>>) src(%dma_wait3A_136 : memref<640x16xf32, #tpu.memory_space<vmem_shared>>) dst(%dma_wait3A_134 : memref<640x16xf32, #tpu.memory_space<hbm>>)
      tpu.yield
    }) : () -> ()
    return
  }
}

module attributes {stable_mosaic.version = 14 : i64} {
  func.func @_p12_body(%arg0: i32, %arg1: memref<1000x128xf32, #tpu.memory_space<vmem>>, %arg2: memref<128x16xf32, #tpu.memory_space<vmem>>, %arg3: memref<128x16xf32, #tpu.memory_space<vmem>>, %arg4: memref<1000x16xf32, #tpu.memory_space<vmem>>, %arg5: memref<1000x16xf32, #tpu.memory_space<vmem>>) attributes {dimension_semantics = [#tpu.dimension_semantics<arbitrary>], iteration_bounds = array<i64: 10>, scalar_prefetch = 0 : i64, scratch_operands = 0 : i64, tpu.core_type = #tpu.core_type<tc>, window_params = [{transform_indices = @transform_0, window_bounds = array<i64: 1000, 128>}, {pipeline_mode = #tpu.pipeline_mode<synchronous>, transform_indices = @transform_1, window_bounds = array<i64: 128, 16>}, {pipeline_mode = #tpu.pipeline_mode<synchronous>, transform_indices = @transform_2, window_bounds = array<i64: 128, 16>}, {transform_indices = @transform_3, window_bounds = array<i64: 1000, 16>}, {transform_indices = @transform_4, window_bounds = array<i64: 1000, 16>}]} {
    %get3A = arith.constant 0 : index
    %get3A_0 = arith.constant 0 : index
    %get3A_1 = vector.load %arg1[%get3A, %get3A_0] : memref<1000x128xf32, #tpu.memory_space<vmem>>, vector<1000x128xf32>
    %get3A_2 = arith.constant 0 : index
    %get3A_3 = arith.constant 0 : index
    %get3A_4 = vector.load %arg2[%get3A_2, %get3A_3] : memref<128x16xf32, #tpu.memory_space<vmem>>, vector<128x16xf32>
    %dot_general3A = arith.constant dense<0.000000e+00> : vector<1000x16xf32>
    %dot_general3A_5 = tpu.matmul %get3A_1, %get3A_4, %dot_general3A {dimension_numbers = #tpu.dot_dimension_numbers<[1], [0], [0], [1], [0, 0, 1, 1], [], []>, transpose_lhs_hint = false} : vector<1000x128xf32>, vector<128x16xf32>, vector<1000x16xf32> -> vector<1000x16xf32>
    %swap3A = arith.constant 0 : index
    %swap3A_6 = arith.constant 0 : index
    %swap3A_7 = vector.load %arg4[%swap3A, %swap3A_6] : memref<1000x16xf32, #tpu.memory_space<vmem>>, vector<1000x16xf32>
    tpu.vector_store %arg4[%swap3A, %swap3A_6], %dot_general3A_5 {strides = array<i32>} : memref<1000x16xf32, #tpu.memory_space<vmem>>, vector<1000x16xf32>,
    %get3A_8 = arith.constant 0 : index
    %get3A_9 = arith.constant 0 : index
    %get3A_10 = vector.load %arg3[%get3A_8, %get3A_9] : memref<128x16xf32, #tpu.memory_space<vmem>>, vector<128x16xf32>
    %dot_general3A_11 = arith.constant dense<0.000000e+00> : vector<1000x16xf32>
    %dot_general3A_12 = tpu.matmul %get3A_1, %get3A_10, %dot_general3A_11 {dimension_numbers = #tpu.dot_dimension_numbers<[1], [0], [0], [1], [0, 0, 1, 1], [], []>, transpose_lhs_hint = false} : vector<1000x128xf32>, vector<128x16xf32>, vector<1000x16xf32> -> vector<1000x16xf32>
    %swap3A_13 = arith.constant 0 : index
    %swap3A_14 = arith.constant 0 : index
    %swap3A_15 = vector.load %arg5[%swap3A_13, %swap3A_14] : memref<1000x16xf32, #tpu.memory_space<vmem>>, vector<1000x16xf32>
    tpu.vector_store %arg5[%swap3A_13, %swap3A_14], %dot_general3A_12 {strides = array<i32>} : memref<1000x16xf32, #tpu.memory_space<vmem>>, vector<1000x16xf32>,
    return
  }
  func.func @transform_0(%arg0: i32) -> (i32, i32) {
    %c0_i32 = arith.constant 0 : i32
    %c0_i32_0 = arith.constant 0 : i32
    return %arg0, %c0_i32 : i32, i32
  }
  func.func @transform_1(%arg0: i32) -> (i32, i32) {
    %c0_i32 = arith.constant 0 : i32
    %c0_i32_0 = arith.constant 0 : i32
    %c0_i32_1 = arith.constant 0 : i32
    return %c0_i32, %c0_i32_0 : i32, i32
  }
  func.func @transform_2(%arg0: i32) -> (i32, i32) {
    %c0_i32 = arith.constant 0 : i32
    %c0_i32_0 = arith.constant 0 : i32
    %c0_i32_1 = arith.constant 0 : i32
    return %c0_i32, %c0_i32_0 : i32, i32
  }
  func.func @transform_3(%arg0: i32) -> (i32, i32) {
    %c0_i32 = arith.constant 0 : i32
    %c0_i32_0 = arith.constant 0 : i32
    return %arg0, %c0_i32 : i32, i32
  }
  func.func @transform_4(%arg0: i32) -> (i32, i32) {
    %c0_i32 = arith.constant 0 : i32
    %c0_i32_0 = arith.constant 0 : i32
    return %arg0, %c0_i32 : i32, i32
  }
}

module attributes {stable_mosaic.version = 14 : i64} {
  func.func @_qt_body(%arg0: i32, %arg1: memref<16x6400xf32, #tpu.memory_space<vmem>>, %arg2: memref<16x16xf32, #tpu.memory_space<vmem>>, %arg3: memref<16x1xf32, #tpu.memory_space<vmem>>, %arg4: memref<16x6400xf32, #tpu.memory_space<vmem>>) attributes {dimension_semantics = [#tpu.dimension_semantics<arbitrary>], iteration_bounds = array<i64: 50>, scalar_prefetch = 0 : i64, scratch_operands = 0 : i64, tpu.core_type = #tpu.core_type<tc>, window_params = [{transform_indices = @transform_0, window_bounds = array<i64: 16, 6400>}, {pipeline_mode = #tpu.pipeline_mode<synchronous>, transform_indices = @transform_1, window_bounds = array<i64: 16, 16>}, {pipeline_mode = #tpu.pipeline_mode<synchronous>, transform_indices = @transform_2, window_bounds = array<i64: 16, 1>}, {transform_indices = @transform_3, window_bounds = array<i64: 16, 6400>}]} {
    %get3A = arith.constant 0 : index
    %get3A_0 = arith.constant 0 : index
    %get3A_1 = vector.load %arg2[%get3A, %get3A_0] : memref<16x16xf32, #tpu.memory_space<vmem>>, vector<16x16xf32>
    %get3A_2 = arith.constant 0 : index
    %get3A_3 = arith.constant 0 : index
    %get3A_4 = vector.load %arg1[%get3A_2, %get3A_3] : memref<16x6400xf32, #tpu.memory_space<vmem>>, vector<16x6400xf32>
    %dot_general3A = arith.constant dense<0.000000e+00> : vector<16x6400xf32>
    %dot_general3A_5 = tpu.matmul %get3A_1, %get3A_4, %dot_general3A {dimension_numbers = #tpu.dot_dimension_numbers<[1], [0], [0], [1], [0, 0, 1, 1], [], []>, transpose_lhs_hint = false} : vector<16x16xf32>, vector<16x6400xf32>, vector<16x6400xf32> -> vector<16x6400xf32>
    %get3A_6 = arith.constant 0 : index
    %get3A_7 = arith.constant 0 : index
    %get3A_8 = vector.load %arg3[%get3A_6, %get3A_7] : memref<16x1xf32, #tpu.memory_space<vmem>>, vector<16x1xf32>
    %add3A = vector.broadcast %get3A_8 : vector<16x1xf32> to vector<16x6400xf32>
    %add3A_9 = arith.addf %dot_general3A_5, %add3A : vector<16x6400xf32>
    %swap3A = arith.constant 0 : index
    %swap3A_10 = arith.constant 0 : index
    %swap3A_11 = vector.load %arg4[%swap3A, %swap3A_10] : memref<16x6400xf32, #tpu.memory_space<vmem>>, vector<16x6400xf32>
    tpu.vector_store %arg4[%swap3A, %swap3A_10], %add3A_9 {strides = array<i32>} : memref<16x6400xf32, #tpu.memory_space<vmem>>, vector<16x6400xf32>,
    return
  }
  func.func @transform_0(%arg0: i32) -> (i32, i32) {
    %c0_i32 = arith.constant 0 : i32
    %c0_i32_0 = arith.constant 0 : i32
    return %c0_i32, %arg0 : i32, i32
  }
  func.func @transform_1(%arg0: i32) -> (i32, i32) {
    %c0_i32 = arith.constant 0 : i32
    %c0_i32_0 = arith.constant 0 : i32
    %c0_i32_1 = arith.constant 0 : i32
    return %c0_i32, %c0_i32_0 : i32, i32
  }
  func.func @transform_2(%arg0: i32) -> (i32, i32) {
    %c0_i32 = arith.constant 0 : i32
    %c0_i32_0 = arith.constant 0 : i32
    %c0_i32_1 = arith.constant 0 : i32
    return %c0_i32, %c0_i32_0 : i32, i32
  }
  func.func @transform_3(%arg0: i32) -> (i32, i32) {
    %c0_i32 = arith.constant 0 : i32
    %c0_i32_0 = arith.constant 0 : i32
    return %c0_i32, %arg0 : i32, i32
  }
}

module attributes {stable_mosaic.version = 14 : i64} {
  func.func @_node_body(%arg0: i32, %arg1: memref<1000x16xf32, #tpu.memory_space<vmem>>, %arg2: memref<1000x16xf32, #tpu.memory_space<vmem>>, %arg3: memref<1000x128xf32, #tpu.memory_space<vmem>>, %arg4: memref<16x128xf32, #tpu.memory_space<vmem>>, %arg5: memref<128x128xf32, #tpu.memory_space<vmem>>, %arg6: memref<1x128xf32, #tpu.memory_space<vmem>>, %arg7: memref<1000x128xf32, #tpu.memory_space<vmem>>) attributes {dimension_semantics = [#tpu.dimension_semantics<arbitrary>], iteration_bounds = array<i64: 10>, scalar_prefetch = 0 : i64, scratch_operands = 0 : i64, tpu.core_type = #tpu.core_type<tc>, window_params = [{transform_indices = @transform_0, window_bounds = array<i64: 1000, 16>}, {transform_indices = @transform_1, window_bounds = array<i64: 1000, 16>}, {transform_indices = @transform_2, window_bounds = array<i64: 1000, 128>}, {pipeline_mode = #tpu.pipeline_mode<synchronous>, transform_indices = @transform_3, window_bounds = array<i64: 16, 128>}, {pipeline_mode = #tpu.pipeline_mode<synchronous>, transform_indices = @transform_4, window_bounds = array<i64: 128, 128>}, {pipeline_mode = #tpu.pipeline_mode<synchronous>, transform_indices = @transform_5, window_bounds = array<i64: 1, 128>}, {transform_indices = @transform_6, window_bounds = array<i64: 1000, 128>}]} {
    %get3A = arith.constant 0 : index
    %get3A_0 = arith.constant 0 : index
    %get3A_1 = vector.load %arg1[%get3A, %get3A_0] : memref<1000x16xf32, #tpu.memory_space<vmem>>, vector<1000x16xf32>
    %get3A_2 = arith.constant 0 : index
    %get3A_3 = arith.constant 0 : index
    %get3A_4 = vector.load %arg2[%get3A_2, %get3A_3] : memref<1000x16xf32, #tpu.memory_space<vmem>>, vector<1000x16xf32>
    %add3A = arith.addf %get3A_1, %get3A_4 : vector<1000x16xf32>
    %get3A_5 = arith.constant 0 : index
    %get3A_6 = arith.constant 0 : index
    %get3A_7 = vector.load %arg4[%get3A_5, %get3A_6] : memref<16x128xf32, #tpu.memory_space<vmem>>, vector<16x128xf32>
    %dot_general3A = arith.constant dense<0.000000e+00> : vector<1000x128xf32>
    %dot_general3A_8 = tpu.matmul %add3A, %get3A_7, %dot_general3A {dimension_numbers = #tpu.dot_dimension_numbers<[1], [0], [0], [1], [0, 0, 1, 1], [], []>, transpose_lhs_hint = false} : vector<1000x16xf32>, vector<16x128xf32>, vector<1000x128xf32> -> vector<1000x128xf32>
    %get3A_9 = arith.constant 0 : index
    %get3A_10 = arith.constant 0 : index
    %get3A_11 = vector.load %arg3[%get3A_9, %get3A_10] : memref<1000x128xf32, #tpu.memory_space<vmem>>, vector<1000x128xf32>
    %get3A_12 = arith.constant 0 : index
    %get3A_13 = arith.constant 0 : index
    %get3A_14 = vector.load %arg5[%get3A_12, %get3A_13] : memref<128x128xf32, #tpu.memory_space<vmem>>, vector<128x128xf32>
    %dot_general3A_15 = arith.constant dense<0.000000e+00> : vector<1000x128xf32>
    %dot_general3A_16 = tpu.matmul %get3A_11, %get3A_14, %dot_general3A_15 {dimension_numbers = #tpu.dot_dimension_numbers<[1], [0], [0], [1], [0, 0, 1, 1], [], []>, transpose_lhs_hint = false} : vector<1000x128xf32>, vector<128x128xf32>, vector<1000x128xf32> -> vector<1000x128xf32>
    %add3A_17 = arith.addf %dot_general3A_8, %dot_general3A_16 : vector<1000x128xf32>
    %get3A_18 = arith.constant 0 : index
    %get3A_19 = arith.constant 0 : index
    %get3A_20 = vector.load %arg6[%get3A_18, %get3A_19] : memref<1x128xf32, #tpu.memory_space<vmem>>, vector<1x128xf32>
    %add3A_21 = vector.broadcast %get3A_20 : vector<1x128xf32> to vector<1000x128xf32>
    %add3A_22 = arith.addf %add3A_17, %add3A_21 : vector<1000x128xf32>
    %swap3A = arith.constant 0 : index
    %swap3A_23 = arith.constant 0 : index
    %swap3A_24 = vector.load %arg7[%swap3A, %swap3A_23] : memref<1000x128xf32, #tpu.memory_space<vmem>>, vector<1000x128xf32>
    tpu.vector_store %arg7[%swap3A, %swap3A_23], %add3A_22 {strides = array<i32>} : memref<1000x128xf32, #tpu.memory_space<vmem>>, vector<1000x128xf32>,
    return
  }
  func.func @transform_0(%arg0: i32) -> (i32, i32) {
    %c0_i32 = arith.constant 0 : i32
    %c0_i32_0 = arith.constant 0 : i32
    return %arg0, %c0_i32 : i32, i32
  }
  func.func @transform_1(%arg0: i32) -> (i32, i32) {
    %c0_i32 = arith.constant 0 : i32
    %c0_i32_0 = arith.constant 0 : i32
    return %arg0, %c0_i32 : i32, i32
  }
  func.func @transform_2(%arg0: i32) -> (i32, i32) {
    %c0_i32 = arith.constant 0 : i32
    %c0_i32_0 = arith.constant 0 : i32
    return %arg0, %c0_i32 : i32, i32
  }
  func.func @transform_3(%arg0: i32) -> (i32, i32) {
    %c0_i32 = arith.constant 0 : i32
    %c0_i32_0 = arith.constant 0 : i32
    %c0_i32_1 = arith.constant 0 : i32
    return %c0_i32, %c0_i32_0 : i32, i32
  }
  func.func @transform_4(%arg0: i32) -> (i32, i32) {
    %c0_i32 = arith.constant 0 : i32
    %c0_i32_0 = arith.constant 0 : i32
    %c0_i32_1 = arith.constant 0 : i32
    return %c0_i32, %c0_i32_0 : i32, i32
  }
  func.func @transform_5(%arg0: i32) -> (i32, i32) {
    %c0_i32 = arith.constant 0 : i32
    %c0_i32_0 = arith.constant 0 : i32
    %c0_i32_1 = arith.constant 0 : i32
    return %c0_i32, %c0_i32_0 : i32, i32
  }
  func.func @transform_6(%arg0: i32) -> (i32, i32) {
    %c0_i32 = arith.constant 0 : i32
    %c0_i32_0 = arith.constant 0 : i32
    return %arg0, %c0_i32 : i32, i32
  }
}

</mosaic_0001>

<sc_bundles>
// kernel: kernel.6.cloned.1.call-start
scs
__scs_entry_jumppad:
0x0: {  	(pc) =	sbr.rel $0x88, $3  }
0x1: {  	(tag) =	ssettag $0x0;
	lr =	simm.s32 $0x1  }
0x2: {  	[smem:$0x3F9A] =	sst lr;
	_ =	strace $0xD0000000  }
0x3: {  	_ = 	snop  }
0x4: {  	_ = 	snop  }
0x5: {  	_ = 	snop  }
0x6: {  	_ = 	snop  }
0x7: {  	_ = 	snop  }
__scs_overlays_trampoline_lowered:
0x8: {  	[smem:$0x3FA9] =	sst s0  }
0x9: {  	[smem:$0x3FAA] =	sst s1  }
0xa: {  	[smem:$0x3FAB] =	sst s2  }
0xb: {  	[smem:$0x3FAC] =	sst s3  }
0xc: {  	[smem:$0x3FAD] =	sst s4  }
0xd: {  	[smem:$0x3FAE] =	sst s5  }
0xe: {  	[smem:$0x3FAF] =	sst s6  }
0xf: {  	[smem:$0x3FB0] =	sst s7  }
0x10: {  	[smem:$0x3FB1] =	sst s8  }
0x11: {  	[smem:$0x3FB2] =	sst s9;
	s0 =	simm.s32 @!p0 $0x0  }
0x12: {  	s1 =	sld [smem:$0x3F98];
	s0 =	simm.s32 @p0 $0x1  }
0x13: {  	[smem:$0x3FB3] =	sst s0;
	s0 =	simm.s32 @!p1 $0x0  }
0x14: {  	s2 =	sld [smem:$0x3F97];
	s0 =	simm.s32 @p1 $0x1  }
0x15: {  	[smem:$0x3FB4] =	sst s0;
	s0 =	simm.s32 @!p2 $0x0  }
0x16: {  	s3 =	sld [smem:$0x3FDB];
	s0 =	simm.s32 @p2 $0x1  }
0x17: {  	s4 =	simm.s32 $0x1BF5;
	[smem:$0x3FB6] =	sst s0  }
0x18: {  	s0 =	sld [smem:$0x3F99];
	_ =	swait.ge [sflag:s4], $0x0  }
0x19: {  	s7 =	sld [smem:$0x3F9A]  }
0x1a: {  	s8 =	sadd.s32 $0xFFFFE003, lr  }
0x1b: {  	s9 =	sadd.s32 $0xFFFFFEF7, lr;
	s5 =	simm.s32 $0xFFFFFFFF;
	p2 =	slt.u32 s8, $0xFFFFF086  }
0x1c: {  	p1 =	slt.u32 s9, $0xF7A;
	s5 =	simm.s32 @!p2 $0x0  }
0x1d: {  	s5 =	simm.s32 @p1 $0x1;
	p0 =	seq.s32 s7, s2  }
0x1e: {  	s7 =	smul.u32 @!p0 $0xF7A, s2;
	p2 =	seq.s32 @!p0 s5, $0x0  }
0x1f: {  	s9 =	smul.u32 $0xF7A, s1;
	s8 =	simm.s32 @!p0 $0x1BF5;
	p2 =	por !p2, p0  }
0x20: {  	[sflag:s8] =	ssyncset.s32 @!p0 $0xFFFFF086;
	s6 =	sadd.s32 @!p0 s3, s7;
	s7 =	simm.s32 @!p0 $0x108  }
0x21: {  	s3 =	sadd.s32 s3, s9;
	s6 =	sadd.s32 @!p0 $0x88, s6;
	s7 =	simm.s32 @p2 $0x1082  }
0x22: {  	[simem:s7], [sflag:s8] =	dma.local @!p0 [hbm:s6], $0xF7A  }
0x23: {  	s9 =	sor.u32 $0xD0000000, s2;
	s6 =	simm.s32 $0x108;
	_ =	swait.ge @!p0 [sflag:s8], $0x0  }
0x24: {  	s3 =	sadd.s32 $0x88, s3;
	s6 =	simm.s32 @!p1 $0x1082;
	[sflag:s4] =	ssyncset.s32 $0xFFFFF086  }
0x25: {  	[simem:s6], [sflag:s4] =	dma.local [hbm:s3], $0xF7A  }
0x26: {  	[smem:$0x3F9A] =	sst s1;
	(tag) =	ssettag s2;
	_ =	strace s9  }
0x27: {  	s1 =	sld [smem:$0x3FAA]  }
0x28: {  	s2 =	sld [smem:$0x3FAB]  }
0x29: {  	s4 =	sld [smem:$0x3FAD]  }
0x2a: {  	p0 =	seq.s32 s5, $0x0;
	s5 =	sld [smem:$0x3FAE]  }
0x2b: {  	s6 =	sld [smem:$0x3FAF]  }
0x2c: {  	s7 =	sld [smem:$0x3FB0]  }
0x2d: {  	s3 =	simm.s32 $0x108;
	s8 =	sld [smem:$0x3FB1]  }
0x2e: {  	s3 =	simm.s32 @!p0 $0x1082;
	s9 =	sld [smem:$0x3FB2]  }
0x2f: {  	lr =	sadd.s32 s0, s3;
	s0 =	sld [smem:$0x3FA9]  }
0x30: {  	s3 =	sld [smem:$0x3FAC]  }
0x31: {  	[smem:$0x3FB5] =	sst s10  }
0x32: {  	s10 =	sld [smem:$0x3FB3];
	_ =	sdelay $0x3  }
0x33: {  	p0 =	seq.s32 s10, $0x1;
	s10 =	sld [smem:$0x3FB5];
	_ =	sdelay $0x3  }
0x34: {  	[smem:$0x3FB5] =	sst s10  }
0x35: {  	s10 =	sld [smem:$0x3FB4];
	_ =	sdelay $0x3  }
0x36: {  	p1 =	seq.s32 s10, $0x1;
	s10 =	sld [smem:$0x3FB5];
	_ =	sdelay $0x3  }
0x37: {  	[smem:$0x3FB5] =	sst s10  }
0x38: {  	s10 =	sld [smem:$0x3FB6]  }
0x39: {  	_ = 	snop;
	(pc) =	sbr.ind lr, $3  }
0x3a: {  	_ = 	snop  }
0x3b: {  	_ = 	snop  }
0x3c: {  	p2 =	seq.s32 s10, $0x1;
	s10 =	sld [smem:$0x3FB5]  }
0x3d: {  	_ =	shalt  }
0x3e: {  	_ =	shalt  }
0x3f: {  	_ =	shalt  }
0x40: {  	_ =	shalt  }
0x41: {  	_ =	shalt  }
0x42: {  	_ =	shalt  }
0x43: {  	_ =	shalt  }
0x44: {  	_ =	shalt  }
0x45: {  	_ =	shalt  }
0x46: {  	_ =	shalt  }
0x47: {  	_ =	shalt  }
0x48: {  	_ =	shalt  }
0x49: {  	_ =	shalt  }
0x4a: {  	_ =	shalt  }
0x4b: {  	_ =	shalt  }
0x4c: {  	_ =	shalt  }
0x4d: {  	_ =	shalt  }
0x4e: {  	_ =	shalt  }
0x4f: {  	_ =	shalt  }
0x50: {  	_ =	shalt  }
0x51: {  	_ =	shalt  }
0x52: {  	_ =	shalt  }
0x53: {  	_ =	shalt  }
0x54: {  	_ =	shalt  }
0x55: {  	_ =	shalt  }
0x56: {  	_ =	shalt  }
0x57: {  	_ =	shalt  }
0x58: {  	_ =	shalt  }
0x59: {  	_ =	shalt  }
0x5a: {  	_ =	shalt  }
0x5b: {  	_ =	shalt  }
0x5c: {  	_ =	shalt  }
0x5d: {  	_ =	shalt  }
0x5e: {  	_ =	shalt  }
0x5f: {  	_ =	shalt  }
0x60: {  	_ =	shalt  }
0x61: {  	_ =	shalt  }
0x62: {  	_ =	shalt  }
0x63: {  	_ =	shalt  }
0x64: {  	_ =	shalt  }
0x65: {  	_ =	shalt  }
0x66: {  	_ =	shalt  }
0x67: {  	_ =	shalt  }
0x68: {  	_ =	shalt  }
0x69: {  	_ =	shalt  }
0x6a: {  	_ =	shalt  }
0x6b: {  	_ =	shalt  }
0x6c: {  	_ =	shalt  }
0x6d: {  	_ =	shalt  }
0x6e: {  	_ =	shalt  }
0x6f: {  	_ =	shalt  }
0x70: {  	_ =	shalt  }
0x71: {  	_ =	shalt  }
0x72: {  	_ =	shalt  }
0x73: {  	_ =	shalt  }
0x74: {  	_ =	shalt  }
0x75: {  	_ =	shalt  }
0x76: {  	_ =	shalt  }
0x77: {  	_ =	shalt  }
0x78: {  	_ =	shalt  }
0x79: {  	_ =	shalt  }
0x7a: {  	_ =	shalt  }
0x7b: {  	_ =	shalt  }
0x7c: {  	_ =	shalt  }
0x7d: {  	_ =	shalt  }
0x7e: {  	_ =	shalt  }
0x7f: {  	_ =	shalt  }
0x80: {  	_ =	shalt  }
0x81: {  	_ =	shalt  }
0x82: {  	_ =	shalt  }
0x83: {  	_ =	shalt  }
0x84: {  	_ =	shalt  }
0x85: {  	_ =	shalt  }
0x86: {  	_ =	shalt  }
0x87: {  	_ =	shalt  }
.Lfunc_end0:
.L_simem_size_0:
called_computation_lowered:
.L_overlay_start_0:
0x88: {  	s2 =	sld [smem:$0x3FD9]  }
0x89: {  	s3 =	sld [smem:$0x3FFE];
	_ =	sdelay $0x1  }
0x8a: {  	s1 =	srdreg.scid  }
0x8b: {  	s0 =	sand.u32 $0x1, s1  }
0x8c: {  	s14 =	sshll.u32 s0, $0xA;
	s2 =	sadd.s32 s3, s2  }
0x8d: {  	s2 =	sadd.s32 s2, s14  }
0x8e: {  	[smem:$0x3FC1] =	sst s2  }
0x8f: {  	_ = 	snop  }
0x90: {  	s2 =	sld [smem:$0x3FD0];
	_ =	sdelay $0x2  }
0x91: {  	s15 =	simm.s32 $0xA;
	s4 =	simm.s32 $0x10  }
0x92: {  	[smem:s4], [sflag:s15] =	dma.local [hbm:s2], $0x1  }
0x93: {  	_ =	swait.eq [sflag:s15], $0x1  }
0x94: {  	[sflag:s15] =	ssyncset.done $0x0  }
0x95: {  	s16 =	sld [smem:$0x10];
	[sflag:s15] =	ssyncadd.s32 $0xFFFFFFFF  }
0x96: {  	s17 =	sld [smem:$0x11];
	(tm) =	ssettm $0x1  }
0x97: {  	s18 =	sld [smem:$0x3FFB];
	_ =	sdelay $0x3  }
0x98: {  	_ =	strace s18  }
0x99: {  	s4 =	sld [smem:$0x3FFC];
	_ =	sdelay $0x3  }
0x9a: {  	_ =	strace s4  }
0x9b: {  	s4 =	sld [smem:$0x3FFD];
	_ =	sdelay $0x3  }
0x9c: {  	_ =	strace s4  }
0x9d: {  	_ =	strace $0x8FFFFFFF  }
0x9e: {  	s19 =	sld [smem:$0x3FDB];
	_ =	sdelay $0x1  }
0x9f: {  	s5 =	simm.s32 $_scs_section_size  }
0xa0: {  	s6 =	simm.s32 $_size__tile_overlayer_lowered;
	s7 =	simm.s32 $_tile_overlayer_lowered  }
0xa1: {  	s22 =	simm.s32 $0x1BFF;
	s21 =	sshll.u32 s7, $0x1;
	s4 =	sadd.s32 s5, s19  }
0xa2: {  	s8 =	simm.s32 $0x0;
	s20 =	sshll.u32 s6, $0x1;
	s6 =	sadd.s32 s21, s4  }
0xa3: {  	[timem:s8], [sflag:s22] =	dma.local [hbm:s6], s20  }
0xa4: {  	_ =	swait.ge [sflag:s22], s20  }
0xa5: {  	s5 =	ssub.s32 $0x0, s20;
	[sflag:s22] =	ssyncset.done $0x0  }
0xa6: {  	[sflag:s22] =	ssyncadd.s32 s5;
	_ =	sdelay $0x1  }
0xa7: {  	s23 =	simm.s32 $0x1B8B  }
0xa8: {  	_ =	swait.ge [sflag:s23], $0x1  }
0xa9: {  	[sflag:s23] =	ssyncset.done $0x0  }
0xaa: {  	s25 =	simm.s32 $0x1B8E;
	s24 =	sld [smem:$0x3FFE];
	[sflag:s23] =	ssyncadd.s32 $0xFFFFFFFF  }
0xab: {  	s26 =	simm.s32 $execute0_lowered;
	[smem:$0x3FD2] =	sst s25  }
0xac: {  	s6 =	sshll.u32 s26, $0x1;
	_ =	strace $0x80000046;
	[dreg:$0x1] =	wrdreg $0xFFFFFFFF  }
0xad: {  	s28 =	simm.s32 $_size_execute0_lowered;
	s4 =	sadd.s32 s4, s6;
	[dreg:$0x0] =	wrdreg $0x0  }
0xae: {  	s6 =	sshll.u32 s28, $0x1;
	[dreg:$0x2] =	wrdreg s4  }
0xaf: {  	[dreg:$0x3] =	wrdreg s6  }
0xb0: {  	[dreg:$0x4] =	wrdreg $0xC0  }
0xb1: {  	_ =	task [dreg:s8], $0x5FFFF  }
0xb2: {  	[dreg:$0x1] =	wrdreg $0xFFFFFFFF  }
0xb3: {  	[dreg:$0x0] =	wrdreg $0x60  }
0xb4: {  	[dreg:$0x2] =	wrdreg s24  }
0xb5: {  	[dreg:$0x3] =	wrdreg s17  }
0xb6: {  	[dreg:$0x4] =	wrdreg s16  }
0xb7: {  	[dreg:$0x5] =	wrdreg $0x7D200  }
0xb8: {  	[dreg:$0x6] =	wrdreg $0x9  }
0xb9: {  	_ =	task.clear_ibuf [dreg:s8], $0x7FFFF;
	_ =	strace $0x90000046  }
0xba: {  	s29 =	simm.s32 $0x9;
	_ =	strace $0x80000048  }
0xbb: {  	_ =	swait.ge [sflag:s29], $0x1  }
0xbc: {  	[sflag:s29] =	ssyncadd.s32 $0xFFFFFFFF  }
0xbd: {  	_ =	strace $0x90000048  }
0xbe: {  	_ =	sfence  }
0xbf: {  	s30 =	sld [smem:$0x0];
	_ =	sdelay $0x2  }
0xc0: {  	s31 =	sshll.u32 s1, $0xD;
	s1 =	sshrl.u32 s1, $0x2  }
0xc1: {  	s3 =	sand.u32 $0x4000, s31;
	s1 =	sadd.s32 s1, s30  }
0xc2: {  	s0 =	sor.u32 s3, s0;
	s1 =	sshll.u32 s1, $0x11  }
0xc3: {  	s0 =	sor.u32 s1, s0  }
0xc4: {  	s0 =	sadd.s32 $0x8F2B, s0  }
0xc5: {  	[sflag:s0] =	ssyncadd.remote.s32 $0x1  }
0xc6: {  	_ =	sfence.sel $0xFFFF  }
0xc7: {  	[dreg:$0x0] =	wrdreg $0xFFFFFFFF;
	(pc) =	sbr.abs _section_cstart, $3  }
0xc8: {  	[dreg:$0x1] =	wrdreg $0xFFFFFFFF  }
0xc9: {  	_ =	task.clear_ibuf [dreg:s8], $0x2FFFF;
	_ =	strace $0x9FFFFFFF  }
0xca: {  	(tm) =	ssettm $0x7FFFFFFF  }
0xcb: {  	_ =	shalt  }
tec
execute0_lowered:
.L_overlay_start_1:
0x0: {  	(tag) =	ssettag $0x1  }
0x1: {  	s0 =	rddreg [dreg:$0x0]  }
0x2: {  	s1 =	rddreg [dreg:$0x1]  }
0x3: {  	s2 =	rddreg [dreg:$0x2]  }
0x4: {  	s3 =	rddreg [dreg:$0x3]  }
0x5: {  	s5 =	srdreg.scid;
	s14 =	stileid.u32  }
0x6: {  	s4 =	simm.s32 $0x0;
	s18 =	simm.s32 $0x3;
	s20 =	simm.s32 $0x50  }
0x7: {  	s22 =	simm.s32 $0x1;
	s23 =	simm.s32 $0x6D20;
	s24 =	simm.s32 $0x2  }
0x8: {  	s9 =	sand.u32 $0x1, s5;
	s25 =	sshll.u32 s14, $0x1;
	[smem:$0x7FF] =	sst s4  }
0x9: {  	s10 =	smul.u32 $0x2800, s14;
	s5 =	sadd.s32 $0x6800, s0;
	s6 =	sadd.s32 $0x1800, s0  }
0xa: {  	s28 =	sshll.u32 s14, $0x6;
	s8 =	sor.u32 s9, s25;
	_ =	strace $0x80000047  }
0xb: {  	s13 =	ssub.s32 $0x2, s9;
	s9 =	smul.u32 $0x28000, s9;
	s16 =	sor.u32 $0x1C03, s28  }
0xc: {  	s7 =	smul.u32 $0x4E2, s8;
	s11 =	sshrl.u32 s10, $0x3;
	s26 =	sshrl.u32 s13, $0x1  }
0xd: {  	s8 =	smul.u32 $0x2710, s8;
	s15 =	sadd.s32 s10, s3;
	s11 =	sadd.s32 s11, s0  }
0xe: {  	s9 =	sadd.s32 s10, s9;
	s12 =	sadd.s32 s7, s0;
	s11 =	sadd.s32 $0x1F400, s11  }
0xf: {  	v0 =	vlaneseq.u32;
	s7 =	sadd.s32 $0x24400, s0;
	[dreg:$0x5] =	wrdreg s11;
	s29 =	sadd.s32 $0x15600, s12  }
0x10: {  	v0 =	vmul.u32 $0x58, v0;
	s9 =	sshrl.u32 s9, $0x3;
	s31 =	sadd.s32 $0xB800, s12;
	[dreg:$0x6] =	wrdreg s29  }
0x11: {  	v1 =	vimm.s32 $0x0;
	vm0 =	vcmask $0x300;
	s0 =	ssub.s32 s13, s26;
	s2 =	sadd.s32 s2, s9;
	[dreg:$0x7] =	wrdreg s31  }
0x12: {  	v1 =	vsel vm0, $0x3, v1;
	v2 =	vor.u32 $0x1, v0;
	s30 =	sshrl.u32 s8, $0x3;
	s0 =	smax.u32 s0, $0x1;
	[dreg:$0x8] =	wrdreg s2  }
0x13: {  	v3 =	vor.u32 $0x2, v0;
	v4 =	vor.u32 $0x3, v0;
	v5 =	vor.u32 $0x4, v0;
	s13 =	sadd.s32 s1, s30;
	[dreg:$0x9] =	wrdreg s0;
	s2 =	sshrl.u32 s15, $0x3  }
0x14: {  	s25 =	simm.s32 $0x0;
	v6 =	vor.u32 $0x5, v0;
	v7 =	vor.u32 $0x6, v0;
	v8 =	vor.u32 $0x7, v0;
	s14 =	sadd.s32 $0xA, s13;
	[dreg:$0xa] =	wrdreg s2  }
.LBB2_1:
0x15: {  	s0 =	rddreg [dreg:$0x5]  }
0x16: {  	[spmem:s2], [sflag:s16] =	dma.local [hbm:s0], $0x500  }
0x17: {  	_ =	swait.ge [sflag:s18], $0x500  }
0x18: {  	[sflag:s18] =	ssyncset.done $0x0  }
0x19: {  	s2 =	rddreg [dreg:$0x6];
	[sflag:s18] =	ssyncadd.s32 $0xFFFFFB00  }
0x1a: {  	[tilespmem:s4], [sflag:$0x3] =	stream.linear.gather [hbm4b:s2+s4], $0x2710, $0x38;
	[tilespmem:$0xA520] =	vst v63  }
0x1b: {  	_ =	swait.ge [sflag:s18], $0x2710  }
0x1c: {  	[sflag:s18] =	ssyncset.done $0x0  }
0x1d: {  	s10 =	simm.s32 $0x2710;
	s9 =	rddreg [dreg:$0x7];
	[sflag:s18] =	ssyncadd.s32 $0xFFFFD8F0  }
0x1e: {  	[tilespmem:s10], [sflag:$0x3] =	stream.linear.gather [hbm4b:s9+s4], $0x2710, $0x38;
	[tilespmem:$0xA520] =	vst v63  }
0x1f: {  	_ =	swait.ge [sflag:s18], $0x2710  }
0x20: {  	[sflag:s18] =	ssyncset.done $0x0  }
0x21: {  	s11 =	simm.s32 $0x4E20;
	[sflag:s18] =	ssyncadd.s32 $0xFFFFD8F0  }
0x22: {  	[tilespmem:s11], [sflag:$0x1] =	stream.indirect.gather [hbm4b:s5+s20], $0x10, s4, s20, $0xb8;
	[tilespmem:$0xA520] =	vst v63  }
0x23: {  	s12 =	simm.s32 $0x5820  }
0x24: {  	[tilespmem:s12], [sflag:$0x1] =	stream.indirect.gather [hbm4b:s6+s20], $0x10, s10, s20, $0xb8;
	[tilespmem:$0xA520] =	vst v63  }
0x25: {  	s15 =	simm.s32 $0x6220  }
0x26: {  	[tilespmem:s15], [sflag:$0x1] =	stream.linear.gather [hbm4b:s13+s4], $0x50, $0x38;
	[tilespmem:$0xA520] =	vst v63  }
0x27: {  	s17 =	smov.u32 s16;
	s19 =	simm.s32 $0x6278;
	s16 =	sadd.s32 $0x9C40, s13  }
0x28: {  	[tilespmem:s19], [sflag:$0x1] =	stream.linear.gather [hbm4b:s16+s4], $0x50, $0x38;
	[tilespmem:$0xA520] =	vst v63  }
0x29: {  	s21 =	sadd.s32 $0x13880, s13;
	s26 =	simm.s32 $0x62D0  }
0x2a: {  	[tilespmem:s26], [sflag:$0x1] =	stream.linear.gather [hbm4b:s21+s4], $0x50, $0x38;
	[tilespmem:$0xA520] =	vst v63  }
0x2b: {  	s28 =	sadd.s32 $0x1D4C0, s13;
	s29 =	simm.s32 $0x6328  }
0x2c: {  	[tilespmem:s29], [sflag:$0x1] =	stream.linear.gather [hbm4b:s28+s4], $0x50, $0x38;
	[tilespmem:$0xA520] =	vst v63  }
0x2d: {  	s30 =	sadd.s32 $0x27100, s13;
	s31 =	simm.s32 $0x6380  }
0x2e: {  	[tilespmem:s31], [sflag:$0x1] =	stream.linear.gather [hbm4b:s30+s4], $0x50, $0x38;
	[tilespmem:$0xA520] =	vst v63  }
0x2f: {  	s2 =	sadd.s32 $0x30D40, s13;
	s9 =	simm.s32 $0x63D8  }
0x30: {  	[tilespmem:s9], [sflag:$0x1] =	stream.linear.gather [hbm4b:s2+s4], $0x50, $0x38;
	[tilespmem:$0xA520] =	vst v63  }
0x31: {  	s11 =	simm.s32 $0x6430;
	s10 =	sadd.s32 $0x3A980, s13  }
0x32: {  	[tilespmem:s11], [sflag:$0x1] =	stream.linear.gather [hbm4b:s10+s4], $0x50, $0x38;
	[tilespmem:$0xA520] =	vst v63  }
0x33: {  	s12 =	sadd.s32 $0x445C0, s13;
	s15 =	simm.s32 $0x6488  }
0x34: {  	[tilespmem:s15], [sflag:$0x1] =	stream.linear.gather [hbm4b:s12+s4], $0x50, $0x38;
	[tilespmem:$0xA520] =	vst v63  }
0x35: {  	s16 =	sadd.s32 $0x4E200, s13;
	s19 =	simm.s32 $0x64E0  }
0x36: {  	[tilespmem:s19], [sflag:$0x1] =	stream.linear.gather [hbm4b:s16+s4], $0x50, $0x38;
	[tilespmem:$0xA520] =	vst v63  }
0x37: {  	s21 =	sadd.s32 $0x57E40, s13;
	s26 =	simm.s32 $0x6538  }
0x38: {  	[tilespmem:s26], [sflag:$0x1] =	stream.linear.gather [hbm4b:s21+s4], $0x50, $0x38;
	[tilespmem:$0xA520] =	vst v63  }
0x39: {  	s28 =	sadd.s32 $0x61A80, s13;
	s29 =	simm.s32 $0x6590  }
0x3a: {  	[tilespmem:s29], [sflag:$0x1] =	stream.linear.gather [hbm4b:s28+s4], $0x50, $0x38;
	[tilespmem:$0xA520] =	vst v63  }
0x3b: {  	s30 =	sadd.s32 $0x6B6C0, s13;
	s31 =	simm.s32 $0x65E8  }
0x3c: {  	[tilespmem:s31], [sflag:$0x1] =	stream.linear.gather [hbm4b:s30+s4], $0x50, $0x38;
	[tilespmem:$0xA520] =	vst v63  }
0x3d: {  	s2 =	sadd.s32 $0x75300, s13;
	s9 =	simm.s32 $0x6640  }
0x3e: {  	[tilespmem:s9], [sflag:$0x1] =	stream.linear.gather [hbm4b:s2+s4], $0x50, $0x38;
	[tilespmem:$0xA520] =	vst v63  }
0x3f: {  	s10 =	sadd.s32 $0x7EF40, s13;
	s11 =	simm.s32 $0x6698  }
0x40: {  	[tilespmem:s11], [sflag:$0x1] =	stream.linear.gather [hbm4b:s10+s4], $0x50, $0x38;
	[tilespmem:$0xA520] =	vst v63  }
0x41: {  	s12 =	sadd.s32 $0x88B80, s13;
	s15 =	simm.s32 $0x66F0  }
0x42: {  	[tilespmem:s15], [sflag:$0x1] =	stream.linear.gather [hbm4b:s12+s4], $0x50, $0x38;
	[tilespmem:$0xA520] =	vst v63  }
0x43: {  	s16 =	sadd.s32 $0x927C0, s13;
	s19 =	simm.s32 $0x6748  }
0x44: {  	[tilespmem:s19], [sflag:$0x1] =	stream.linear.gather [hbm4b:s16+s4], $0x50, $0x38;
	[tilespmem:$0xA520] =	vst v63  }
0x45: {  	s21 =	simm.s32 $0x5320  }
0x46: {  	[tilespmem:s21], [sflag:$0x1] =	stream.indirect.gather [hbm4b:s5+s20], $0x10, s20, s20, $0xb8;
	[tilespmem:$0xA520] =	vst v63  }
0x47: {  	s26 =	simm.s32 $0x2760;
	s28 =	simm.s32 $0x5D20  }
0x48: {  	[tilespmem:s28], [sflag:$0x1] =	stream.indirect.gather [hbm4b:s6+s20], $0x10, s26, s20, $0xb8;
	[tilespmem:$0xA520] =	vst v63  }
0x49: {  	s29 =	simm.s32 $0x67A0  }
0x4a: {  	[tilespmem:s29], [sflag:$0x1] =	stream.linear.gather [hbm4b:s14+s4], $0x50, $0x38;
	[tilespmem:$0xA520] =	vst v63  }
0x4b: {  	s30 =	sadd.s32 $0x9C40, s14;
	s31 =	simm.s32 $0x67F8  }
0x4c: {  	[tilespmem:s31], [sflag:$0x1] =	stream.linear.gather [hbm4b:s30+s4], $0x50, $0x38;
	[tilespmem:$0xA520] =	vst v63  }
0x4d: {  	s2 =	sadd.s32 $0x13880, s14;
	s9 =	simm.s32 $0x6850  }
0x4e: {  	[tilespmem:s9], [sflag:$0x1] =	stream.linear.gather [hbm4b:s2+s4], $0x50, $0x38;
	[tilespmem:$0xA520] =	vst v63  }
0x4f: {  	s10 =	sadd.s32 $0x1D4C0, s14;
	s11 =	simm.s32 $0x68A8  }
0x50: {  	[tilespmem:s11], [sflag:$0x1] =	stream.linear.gather [hbm4b:s10+s4], $0x50, $0x38;
	[tilespmem:$0xA520] =	vst v63  }
0x51: {  	s12 =	sadd.s32 $0x27100, s14;
	s15 =	simm.s32 $0x6900  }
0x52: {  	[tilespmem:s15], [sflag:$0x1] =	stream.linear.gather [hbm4b:s12+s4], $0x50, $0x38;
	[tilespmem:$0xA520] =	vst v63  }
0x53: {  	s16 =	sadd.s32 $0x30D40, s14;
	s19 =	simm.s32 $0x6958  }
0x54: {  	[tilespmem:s19], [sflag:$0x1] =	stream.linear.gather [hbm4b:s16+s4], $0x50, $0x38;
	[tilespmem:$0xA520] =	vst v63  }
0x55: {  	s21 =	sadd.s32 $0x3A980, s14;
	s26 =	simm.s32 $0x69B0  }
0x56: {  	[tilespmem:s26], [sflag:$0x1] =	stream.linear.gather [hbm4b:s21+s4], $0x50, $0x38;
	[tilespmem:$0xA520] =	vst v63  }
0x57: {  	s28 =	sadd.s32 $0x445C0, s14;
	s29 =	simm.s32 $0x6A08  }
0x58: {  	[tilespmem:s29], [sflag:$0x1] =	stream.linear.gather [hbm4b:s28+s4], $0x50, $0x38;
	[tilespmem:$0xA520] =	vst v63  }
0x59: {  	s30 =	sadd.s32 $0x4E200, s14;
	s31 =	simm.s32 $0x6A60  }
0x5a: {  	[tilespmem:s31], [sflag:$0x1] =	stream.linear.gather [hbm4b:s30+s4], $0x50, $0x38;
	[tilespmem:$0xA520] =	vst v63  }
0x5b: {  	s2 =	sadd.s32 $0x57E40, s14;
	s9 =	simm.s32 $0x6AB8  }
0x5c: {  	[tilespmem:s9], [sflag:$0x1] =	stream.linear.gather [hbm4b:s2+s4], $0x50, $0x38;
	[tilespmem:$0xA520] =	vst v63  }
0x5d: {  	s10 =	sadd.s32 $0x61A80, s14;
	s11 =	simm.s32 $0x6B10  }
0x5e: {  	[tilespmem:s11], [sflag:$0x1] =	stream.linear.gather [hbm4b:s10+s4], $0x50, $0x38;
	[tilespmem:$0xA520] =	vst v63  }
0x5f: {  	s12 =	sadd.s32 $0x6B6C0, s14;
	s15 =	simm.s32 $0x6B68  }
0x60: {  	[tilespmem:s15], [sflag:$0x1] =	stream.linear.gather [hbm4b:s12+s4], $0x50, $0x38;
	[tilespmem:$0xA520] =	vst v63  }
0x61: {  	s16 =	sadd.s32 $0x75300, s14;
	s19 =	simm.s32 $0x6BC0  }
0x62: {  	[tilespmem:s19], [sflag:$0x1] =	stream.linear.gather [hbm4b:s16+s4], $0x50, $0x38;
	[tilespmem:$0xA520] =	vst v63  }
0x63: {  	s21 =	sadd.s32 $0x7EF40, s14;
	s26 =	simm.s32 $0x6C18  }
0x64: {  	[tilespmem:s26], [sflag:$0x1] =	stream.linear.gather [hbm4b:s21+s4], $0x50, $0x38;
	[tilespmem:$0xA520] =	vst v63  }
0x65: {  	s28 =	sadd.s32 $0x88B80, s14;
	s29 =	simm.s32 $0x6C70  }
0x66: {  	[tilespmem:s29], [sflag:$0x1] =	stream.linear.gather [hbm4b:s28+s4], $0x50, $0x38;
	[tilespmem:$0xA520] =	vst v63  }
0x67: {  	s30 =	sadd.s32 $0x927C0, s14;
	s31 =	simm.s32 $0x6CC8  }
0x68: {  	[tilespmem:s31], [sflag:$0x1] =	stream.linear.gather [hbm4b:s30+s4], $0x50, $0x38;
	[tilespmem:$0xA520] =	vst v63  }
0x69: {  	p0 =	por $0x0, $0x0;
	s26 =	simm.s32 $0x0;
	[bflag:$0x0] =	sbarrier.arrive $0xFFFF  }
.LBB2_2:
0x6a: {  	_ =	swait.ge [sflag:s22], $0x500  }
0x6b: {  	[sflag:s22] =	ssyncset.done $0x0  }
0x6c: {  	[sflag:s22] =	ssyncadd.s32 $0xFFFFFB00  }
0x6d: {  	_ =	swait.ge [sflag:s22], $0x500  }
0x6e: {  	s0 =	simm.s32 $0x0;
	[sflag:s22] =	ssyncset.done $0x0  }
0x6f: {  	v9 =	vmov s0;
	[sflag:s22] =	ssyncadd.s32 $0xFFFFFB00  }
0x70: {  	s0 =	simm.s32 $0x1;
	v9 =	vshrl.u32 v9, $0x3;
	_ =	swait.ge [sflag:s22], $0x500  }
0x71: {  	p1 =	slt.u32 s26, $0x2;
	s0 =	simm.s32 @!p0 $0x0;
	v9 =	vshll.u32 v9, v1;
	[sflag:s22] =	ssyncset.done $0x0  }
0x72: {  	s2 =	simm.s32 @!p1 $0x2;
	s0 =	smul.u32 $0x1400, s0;
	v9 =	vbroadcast v9, $0x0;
	[sflag:s22] =	ssyncadd.s32 $0xFFFFFB00  }
0x73: {  	_ =	swait.ge @!p1 [sflag:s2], $0x500  }
0x74: {  	s0 =	sshrl.u32 s0, $0x2;
	v9 =	vadd.s32 v0, v9;
	[sflag:s2] =	ssyncset.done @!p1 $0x0  }
0x75: {  	s29 =	sand.u32 $0x1, s26;
	s21 =	sadd.s32 $0x4E60, s0;
	[sflag:s2] =	ssyncadd.s32 @!p1 $0xFFFFFB00  }
0x76: {  	s16 =	smul.u32 $0x580, s29;
	s12 =	sor.u32 $0x5860, s0;
	v10 =	vld [tilespmem:s21+$0xFFFFFFC0]  }
0x77: {  	v11 =	vld [tilespmem:s12+$0xFFFFFFC0]  }
0x78: {  	s30 =	sadd.s32 $0x6220, s16  }
0x79: {  	v12 =	vld.idx.msk [tilespmem:v9+s30+$0x0], $0xffff  }
0x7a: {  	s19 =	simm.s32 $0x1  }
0x7b: {  	v13 =	vmov s19  }
0x7c: {  	v13 =	vshrl.u32 v13, $0x3;
	v10 =	vadd.f32 v11, v10  }
0x7d: {  	v11 =	vshll.u32 v13, v1  }
0x7e: {  	v11 =	vbroadcast v11, $0x0;
	v10 =	vadd.f32 v10, v12  }
0x7f: {  	s9 =	simm.s32 $0x6D60  }
0x80: {  	s31 =	sadd.s32 $0x7220, s16;
	v11 =	vadd.s32 v2, v11;
	[tilespmem:s9+$0xFFFFFFC0] =	vst v10  }
0x81: {  	[tilespmem:v9+s31+$0x0] =	vst.idx.msk $0xffff, v10  }
0x82: {  	v9 =	vld [tilespmem:s21+$0xFFFFFFD0]  }
0x83: {  	v10 =	vld [tilespmem:s12+$0xFFFFFFD0];
	_ =	sdelay $0x1  }
0x84: {  	v53 =	vld.idx.msk [tilespmem:v11+s30+$0x0], $0xffff  }
0x85: {  	s2 =	simm.s32 $0x2  }
0x86: {  	v54 =	vmov s2  }
0x87: {  	v13 =	vshrl.u32 v54, $0x3;
	v9 =	vadd.f32 v10, v9  }
0x88: {  	v10 =	vshll.u32 v13, v1  }
0x89: {  	v10 =	vbroadcast v10, $0x0;
	v9 =	vadd.f32 v9, v53;
	_ =	sdelay $0x1  }
0x8a: {  	v10 =	vadd.s32 v3, v10;
	[tilespmem:s9+$0xFFFFFFD0] =	vst v9  }
0x8b: {  	[tilespmem:v11+s31+$0x0] =	vst.idx.msk $0xffff, v9  }
0x8c: {  	v9 =	vld [tilespmem:s21+$0xFFFFFFE0]  }
0x8d: {  	v11 =	vld [tilespmem:s12+$0xFFFFFFE0];
	_ =	sdelay $0x1  }
0x8e: {  	v55 =	vld.idx.msk [tilespmem:v10+s30+$0x0], $0xffff  }
0x8f: {  	s10 =	simm.s32 $0x3  }
0x90: {  	v56 =	vmov s10  }
0x91: {  	v13 =	vshrl.u32 v56, $0x3;
	v9 =	vadd.f32 v11, v9  }
0x92: {  	v11 =	vshll.u32 v13, v1  }
0x93: {  	v11 =	vbroadcast v11, $0x0;
	v9 =	vadd.f32 v9, v55;
	_ =	sdelay $0x1  }
0x94: {  	v11 =	vadd.s32 v4, v11;
	[tilespmem:s9+$0xFFFFFFE0] =	vst v9  }
0x95: {  	[tilespmem:v10+s31+$0x0] =	vst.idx.msk $0xffff, v9  }
0x96: {  	v9 =	vld [tilespmem:s21+$0xFFFFFFF0]  }
0x97: {  	v10 =	vld [tilespmem:s12+$0xFFFFFFF0];
	_ =	sdelay $0x1  }
0x98: {  	v57 =	vld.idx.msk [tilespmem:v11+s30+$0x0], $0xffff  }
0x99: {  	s11 =	simm.s32 $0x4  }
0x9a: {  	v58 =	vmov s11  }
0x9b: {  	v13 =	vshrl.u32 v58, $0x3;
	v9 =	vadd.f32 v10, v9  }
0x9c: {  	v10 =	vshll.u32 v13, v1  }
0x9d: {  	v10 =	vbroadcast v10, $0x0;
	v9 =	vadd.f32 v9, v57;
	_ =	sdelay $0x1  }
0x9e: {  	v10 =	vadd.s32 v5, v10;
	[tilespmem:s9+$0xFFFFFFF0] =	vst v9  }
0x9f: {  	[tilespmem:v11+s31+$0x0] =	vst.idx.msk $0xffff, v9  }
0xa0: {  	v9 =	vld [tilespmem:s21+$0x0]  }
0xa1: {  	v11 =	vld [tilespmem:s12+$0x0];
	_ =	sdelay $0x1  }
0xa2: {  	v59 =	vld.idx.msk [tilespmem:v10+s30+$0x0], $0xffff  }
0xa3: {  	s15 =	simm.s32 $0x5  }
0xa4: {  	v60 =	vmov s15  }
0xa5: {  	v13 =	vshrl.u32 v60, $0x3;
	v9 =	vadd.f32 v11, v9  }
0xa6: {  	v11 =	vshll.u32 v13, v1  }
0xa7: {  	v11 =	vbroadcast v11, $0x0;
	v9 =	vadd.f32 v9, v59;
	_ =	sdelay $0x1  }
0xa8: {  	v11 =	vadd.s32 v6, v11;
	[tilespmem:s9+$0x0] =	vst v9  }
0xa9: {  	[tilespmem:v10+s31+$0x0] =	vst.idx.msk $0xffff, v9  }
0xaa: {  	v9 =	vld [tilespmem:s21+$0x10]  }
0xab: {  	v10 =	vld [tilespmem:s12+$0x10];
	_ =	sdelay $0x1  }
0xac: {  	v61 =	vld.idx.msk [tilespmem:v11+s30+$0x0], $0xffff  }
0xad: {  	s16 =	simm.s32 $0x6  }
0xae: {  	v62 =	vmov s16  }
0xaf: {  	v13 =	vshrl.u32 v62, $0x3;
	v9 =	vadd.f32 v10, v9  }
0xb0: {  	v10 =	vshll.u32 v13, v1  }
0xb1: {  	v10 =	vbroadcast v10, $0x0;
	v9 =	vadd.f32 v9, v61;
	_ =	sdelay $0x1  }
0xb2: {  	v10 =	vadd.s32 v7, v10;
	[tilespmem:s9+$0x10] =	vst v9  }
0xb3: {  	[tilespmem:v11+s31+$0x0] =	vst.idx.msk $0xffff, v9  }
0xb4: {  	v9 =	vld [tilespmem:s21+$0x20]  }
0xb5: {  	v11 =	vld [tilespmem:s12+$0x20];
	_ =	sdelay $0x1  }
0xb6: {  	v63 =	vld.idx.msk [tilespmem:v10+s30+$0x0], $0xffff;
	_ =	sdelay $0x1  }
0xb7: {  	s19 =	simm.s32 $0x7  }
0xb8: {  	v9 =	vadd.f32 v11, v9;
	v11 =	vmov s19  }
0xb9: {  	v11 =	vshrl.u32 v11, $0x3  }
0xba: {  	v9 =	vadd.f32 v9, v63;
	v11 =	vshll.u32 v11, v1  }
0xbb: {  	v11 =	vbroadcast v11, $0x0  }
0xbc: {  	[tilespmem:s9+$0x20] =	vst v9  }
0xbd: {  	[tilespmem:v10+s31+$0x0] =	vst.idx.msk $0xffff, v9;
	v9 =	vadd.s32 v8, v11  }
0xbe: {  	s28 =	smul.u32 $0x50, s26  }
0xbf: {  	s11 =	simm.s32 $0x8;
	s15 =	simm.s32 $0x10;
	s0 =	smul.u32 $0x500, s29;
	v10 =	vld [tilespmem:s21+$0x30]  }
0xc0: {  	s2 =	sadd.s32 s8, s28;
	s19 =	sadd.s32 $0x80, s12;
	v11 =	vld [tilespmem:s12+$0x30];
	s12 =	simm.s32 $0x6D60  }
.LBB2_3:
0xc1: {  	s21 =	sadd.s32 $0x80, s21  }
0xc2: {  	v12 =	vmov s11;
	v13 =	vld.idx.msk [tilespmem:v9+s30+$0x0], $0xffff;
	s9 =	sadd.s32 $0x80, s9;
	s16 =	smov.u32 s15;
	s10 =	sadd.s32 $0x8, s15  }
0xc3: {  	p1 =	slt.u32 s15, $0x48;
	v12 =	vshrl.u32 v12, $0x3  }
0xc4: {  	v12 =	vshll.u32 v12, v1  }
0xc5: {  	v12 =	vbroadcast v12, $0x0  }
0xc6: {  	v10 =	vadd.f32 v11, v10  }
0xc7: {  	v11 =	vadd.s32 v0, v12  }
0xc8: {  	v10 =	vadd.f32 v10, v13;
	_ =	sdelay $0x1  }
0xc9: {  	[tilespmem:s12+$0x30] =	vst v10;
	s12 =	smov.u32 s9  }
0xca: {  	[tilespmem:v9+s31+$0x0] =	vst.idx.msk $0xffff, v10  }
0xcb: {  	v9 =	vld [tilespmem:s21+$0xFFFFFFC0]  }
0xcc: {  	v10 =	vld [tilespmem:s19+$0xFFFFFFC0]  }
0xcd: {  	v12 =	vld.idx.msk [tilespmem:v11+s30+$0x0], $0xffff  }
0xce: {  	s15 =	sadd.s32 $0x1, s11  }
0xcf: {  	v13 =	vmov s15  }
0xd0: {  	v13 =	vshrl.u32 v13, $0x3  }
0xd1: {  	v9 =	vadd.f32 v10, v9;
	v10 =	vshll.u32 v13, v1  }
0xd2: {  	v10 =	vbroadcast v10, $0x0  }
0xd3: {  	v9 =	vadd.f32 v9, v12  }
0xd4: {  	v10 =	vadd.s32 v2, v10  }
0xd5: {  	[tilespmem:s9+$0xFFFFFFC0] =	vst v9  }
0xd6: {  	[tilespmem:v11+s31+$0x0] =	vst.idx.msk $0xffff, v9  }
0xd7: {  	v9 =	vld [tilespmem:s21+$0xFFFFFFD0]  }
0xd8: {  	v11 =	vld [tilespmem:s19+$0xFFFFFFD0]  }
0xd9: {  	v12 =	vld.idx.msk [tilespmem:v10+s30+$0x0], $0xffff  }
0xda: {  	s15 =	sadd.s32 $0x2, s11  }
0xdb: {  	v13 =	vmov s15  }
0xdc: {  	v13 =	vshrl.u32 v13, $0x3  }
0xdd: {  	v9 =	vadd.f32 v11, v9;
	v11 =	vshll.u32 v13, v1  }
0xde: {  	v11 =	vbroadcast v11, $0x0  }
0xdf: {  	v9 =	vadd.f32 v9, v12  }
0xe0: {  	v11 =	vadd.s32 v3, v11  }
0xe1: {  	[tilespmem:s9+$0xFFFFFFD0] =	vst v9  }
0xe2: {  	[tilespmem:v10+s31+$0x0] =	vst.idx.msk $0xffff, v9  }
0xe3: {  	v9 =	vld [tilespmem:s21+$0xFFFFFFE0]  }
0xe4: {  	v10 =	vld [tilespmem:s19+$0xFFFFFFE0]  }
0xe5: {  	v12 =	vld.idx.msk [tilespmem:v11+s30+$0x0], $0xffff  }
0xe6: {  	s15 =	sadd.s32 $0x3, s11  }
0xe7: {  	v13 =	vmov s15  }
0xe8: {  	v13 =	vshrl.u32 v13, $0x3  }
0xe9: {  	v9 =	vadd.f32 v10, v9;
	v10 =	vshll.u32 v13, v1  }
0xea: {  	v10 =	vbroadcast v10, $0x0  }
0xeb: {  	v9 =	vadd.f32 v9, v12  }
0xec: {  	v10 =	vadd.s32 v4, v10  }
0xed: {  	[tilespmem:s9+$0xFFFFFFE0] =	vst v9  }
0xee: {  	[tilespmem:v11+s31+$0x0] =	vst.idx.msk $0xffff, v9  }
0xef: {  	v9 =	vld [tilespmem:s21+$0xFFFFFFF0]  }
0xf0: {  	v11 =	vld [tilespmem:s19+$0xFFFFFFF0]  }
0xf1: {  	v12 =	vld.idx.msk [tilespmem:v10+s30+$0x0], $0xffff  }
0xf2: {  	s15 =	sadd.s32 $0x4, s11  }
0xf3: {  	v13 =	vmov s15  }
0xf4: {  	v13 =	vshrl.u32 v13, $0x3  }
0xf5: {  	v9 =	vadd.f32 v11, v9;
	v11 =	vshll.u32 v13, v1  }
0xf6: {  	v11 =	vbroadcast v11, $0x0  }
0xf7: {  	v9 =	vadd.f32 v9, v12  }
0xf8: {  	v11 =	vadd.s32 v5, v11  }
0xf9: {  	[tilespmem:s9+$0xFFFFFFF0] =	vst v9  }
0xfa: {  	[tilespmem:v10+s31+$0x0] =	vst.idx.msk $0xffff, v9  }
0xfb: {  	v9 =	vld [tilespmem:s21+$0x0]  }
0xfc: {  	v10 =	vld [tilespmem:s19+$0x0]  }
0xfd: {  	v12 =	vld.idx.msk [tilespmem:v11+s30+$0x0], $0xffff  }
0xfe: {  	s15 =	sadd.s32 $0x5, s11  }
0xff: {  	v13 =	vmov s15  }
0x100: {  	v13 =	vshrl.u32 v13, $0x3  }
0x101: {  	v9 =	vadd.f32 v10, v9;
	v10 =	vshll.u32 v13, v1  }
0x102: {  	v10 =	vbroadcast v10, $0x0  }
0x103: {  	v9 =	vadd.f32 v9, v12  }
0x104: {  	v10 =	vadd.s32 v6, v10  }
0x105: {  	[tilespmem:s9+$0x0] =	vst v9  }
0x106: {  	[tilespmem:v11+s31+$0x0] =	vst.idx.msk $0xffff, v9  }
0x107: {  	v9 =	vld [tilespmem:s21+$0x10]  }
0x108: {  	v11 =	vld [tilespmem:s19+$0x10]  }
0x109: {  	v12 =	vld.idx.msk [tilespmem:v10+s30+$0x0], $0xffff  }
0x10a: {  	s15 =	sadd.s32 $0x6, s11  }
0x10b: {  	v13 =	vmov s15  }
0x10c: {  	v13 =	vshrl.u32 v13, $0x3  }
0x10d: {  	v9 =	vadd.f32 v11, v9;
	v11 =	vshll.u32 v13, v1  }
0x10e: {  	v11 =	vbroadcast v11, $0x0  }
0x10f: {  	v9 =	vadd.f32 v9, v12  }
0x110: {  	v11 =	vadd.s32 v7, v11  }
0x111: {  	[tilespmem:s9+$0x10] =	vst v9  }
0x112: {  	[tilespmem:v10+s31+$0x0] =	vst.idx.msk $0xffff, v9  }
0x113: {  	v9 =	vld [tilespmem:s21+$0x20]  }
0x114: {  	v10 =	vld [tilespmem:s19+$0x20]  }
0x115: {  	v12 =	vld.idx.msk [tilespmem:v11+s30+$0x0], $0xffff  }
0x116: {  	s15 =	sadd.s32 $0x7, s11;
	s11 =	smov.u32 s16  }
0x117: {  	v13 =	vmov s15  }
0x118: {  	v13 =	vshrl.u32 v13, $0x3  }
0x119: {  	v9 =	vadd.f32 v10, v9;
	v10 =	vshll.u32 v13, v1  }
0x11a: {  	v10 =	vbroadcast v10, $0x0  }
0x11b: {  	v12 =	vadd.f32 v9, v12  }
.Ltmp0:
0x11c: {  	v9 =	vadd.s32 v8, v10;
	(pc) =	sbr.rel @p1 .LBB2_3-.Ltmp0, $4  }
0x11d: {  	[tilespmem:s9+$0x20] =	vst v12  }
0x11e: {  	[tilespmem:v11+s31+$0x0] =	vst.idx.msk $0xffff, v12  }
0x11f: {  	v10 =	vld [tilespmem:s21+$0x30]  }
0x120: {  	s15 =	smov.u32 s10;
	v11 =	vld [tilespmem:s19+$0x30];
	s19 =	sadd.s32 $0x80, s19  }
0x121: {  	_ =	sdelay $0x3  }
0x122: {  	v12 =	vld.idx.msk [tilespmem:v9+s30+$0x0], $0xffff;
	_ =	sdelay $0x1  }
0x123: {  	v13 =	vmov s11  }
0x124: {  	v13 =	vshrl.u32 v13, $0x3;
	v10 =	vadd.f32 v11, v10  }
0x125: {  	v11 =	vshll.u32 v13, v1  }
0x126: {  	v11 =	vbroadcast v11, $0x0;
	v10 =	vadd.f32 v10, v12;
	_ =	sdelay $0x1  }
0x127: {  	v11 =	vadd.s32 v0, v11;
	[tilespmem:s12+$0x30] =	vst v10  }
0x128: {  	s12 =	sadd.s32 $0x80, s21;
	[tilespmem:v9+s31+$0x0] =	vst.idx.msk $0xffff, v10  }
0x129: {  	v9 =	vld [tilespmem:s12+$0xFFFFFFC0]  }
0x12a: {  	v10 =	vld [tilespmem:s19+$0xFFFFFFC0];
	_ =	sdelay $0x1  }
0x12b: {  	v49 =	vld.idx.msk [tilespmem:v11+s30+$0x0], $0xffff  }
0x12c: {  	s10 =	sadd.s32 $0x1, s11  }
0x12d: {  	v50 =	vmov s10  }
0x12e: {  	v13 =	vshrl.u32 v50, $0x3;
	v9 =	vadd.f32 v10, v9  }
0x12f: {  	v10 =	vshll.u32 v13, v1  }
0x130: {  	v10 =	vbroadcast v10, $0x0;
	v9 =	vadd.f32 v9, v49  }
0x131: {  	s9 =	sadd.s32 $0x80, s9  }
0x132: {  	v10 =	vadd.s32 v2, v10;
	[tilespmem:s9+$0xFFFFFFC0] =	vst v9  }
0x133: {  	[tilespmem:v11+s31+$0x0] =	vst.idx.msk $0xffff, v9  }
0x134: {  	v9 =	vld [tilespmem:s12+$0xFFFFFFD0]  }
0x135: {  	v11 =	vld [tilespmem:s19+$0xFFFFFFD0];
	_ =	sdelay $0x1  }
0x136: {  	v51 =	vld.idx.msk [tilespmem:v10+s30+$0x0], $0xffff  }
0x137: {  	s16 =	sadd.s32 $0x2, s11  }
0x138: {  	v52 =	vmov s16  }
0x139: {  	v13 =	vshrl.u32 v52, $0x3;
	v9 =	vadd.f32 v11, v9  }
0x13a: {  	v11 =	vshll.u32 v13, v1  }
0x13b: {  	v11 =	vbroadcast v11, $0x0;
	v9 =	vadd.f32 v9, v51;
	_ =	sdelay $0x1  }
0x13c: {  	v11 =	vadd.s32 v3, v11;
	[tilespmem:s9+$0xFFFFFFD0] =	vst v9  }
0x13d: {  	[tilespmem:v10+s31+$0x0] =	vst.idx.msk $0xffff, v9  }
0x13e: {  	v9 =	vld [tilespmem:s12+$0xFFFFFFE0]  }
0x13f: {  	v10 =	vld [tilespmem:s19+$0xFFFFFFE0];
	_ =	sdelay $0x1  }
0x140: {  	v53 =	vld.idx.msk [tilespmem:v11+s30+$0x0], $0xffff  }
0x141: {  	s21 =	sadd.s32 $0x3, s11  }
0x142: {  	v54 =	vmov s21  }
0x143: {  	v13 =	vshrl.u32 v54, $0x3;
	v9 =	vadd.f32 v10, v9  }
0x144: {  	v10 =	vshll.u32 v13, v1  }
0x145: {  	v10 =	vbroadcast v10, $0x0;
	v9 =	vadd.f32 v9, v53;
	_ =	sdelay $0x1  }
0x146: {  	v10 =	vadd.s32 v4, v10;
	[tilespmem:s9+$0xFFFFFFE0] =	vst v9  }
0x147: {  	[tilespmem:v11+s31+$0x0] =	vst.idx.msk $0xffff, v9  }
0x148: {  	v9 =	vld [tilespmem:s12+$0xFFFFFFF0]  }
0x149: {  	v11 =	vld [tilespmem:s19+$0xFFFFFFF0];
	_ =	sdelay $0x1  }
0x14a: {  	v55 =	vld.idx.msk [tilespmem:v10+s30+$0x0], $0xffff  }
0x14b: {  	s15 =	sadd.s32 $0x4, s11  }
0x14c: {  	v56 =	vmov s15  }
0x14d: {  	v13 =	vshrl.u32 v56, $0x3;
	v9 =	vadd.f32 v11, v9  }
0x14e: {  	v11 =	vshll.u32 v13, v1  }
0x14f: {  	v11 =	vbroadcast v11, $0x0;
	v9 =	vadd.f32 v9, v55;
	_ =	sdelay $0x1  }
0x150: {  	v11 =	vadd.s32 v5, v11;
	[tilespmem:s9+$0xFFFFFFF0] =	vst v9  }
0x151: {  	[tilespmem:v10+s31+$0x0] =	vst.idx.msk $0xffff, v9  }
0x152: {  	v9 =	vld [tilespmem:s12+$0x0]  }
0x153: {  	v10 =	vld [tilespmem:s19+$0x0];
	_ =	sdelay $0x1  }
0x154: {  	v57 =	vld.idx.msk [tilespmem:v11+s30+$0x0], $0xffff  }
0x155: {  	s16 =	sadd.s32 $0x5, s11  }
0x156: {  	v58 =	vmov s16  }
0x157: {  	v13 =	vshrl.u32 v58, $0x3;
	v9 =	vadd.f32 v10, v9  }
0x158: {  	v10 =	vshll.u32 v13, v1  }
0x159: {  	v10 =	vbroadcast v10, $0x0;
	v9 =	vadd.f32 v9, v57;
	_ =	sdelay $0x1  }
0x15a: {  	v10 =	vadd.s32 v6, v10;
	[tilespmem:s9+$0x0] =	vst v9  }
0x15b: {  	[tilespmem:v11+s31+$0x0] =	vst.idx.msk $0xffff, v9  }
0x15c: {  	v9 =	vld [tilespmem:s12+$0x10]  }
0x15d: {  	v11 =	vld [tilespmem:s19+$0x10];
	_ =	sdelay $0x1  }
0x15e: {  	v59 =	vld.idx.msk [tilespmem:v10+s30+$0x0], $0xffff  }
0x15f: {  	s21 =	sadd.s32 $0x6, s11  }
0x160: {  	v60 =	vmov s21  }
0x161: {  	v13 =	vshrl.u32 v60, $0x3;
	v9 =	vadd.f32 v11, v9  }
0x162: {  	v11 =	vshll.u32 v13, v1  }
0x163: {  	v11 =	vbroadcast v11, $0x0;
	v9 =	vadd.f32 v9, v59;
	_ =	sdelay $0x1  }
0x164: {  	v11 =	vadd.s32 v7, v11;
	[tilespmem:s9+$0x10] =	vst v9  }
0x165: {  	[tilespmem:v10+s31+$0x0] =	vst.idx.msk $0xffff, v9  }
0x166: {  	v9 =	vld [tilespmem:s12+$0x20]  }
0x167: {  	v10 =	vld [tilespmem:s19+$0x20];
	_ =	sdelay $0x1  }
0x168: {  	v61 =	vld.idx.msk [tilespmem:v11+s30+$0x0], $0xffff  }
0x169: {  	s11 =	sadd.s32 $0x7, s11  }
0x16a: {  	v62 =	vmov s11  }
0x16b: {  	v13 =	vshrl.u32 v62, $0x3;
	v9 =	vadd.f32 v10, v9  }
0x16c: {  	v10 =	vshll.u32 v13, v1  }
0x16d: {  	v10 =	vbroadcast v10, $0x0;
	v9 =	vadd.f32 v9, v61;
	_ =	sdelay $0x1  }
0x16e: {  	v10 =	vadd.s32 v8, v10;
	[tilespmem:s9+$0x20] =	vst v9  }
0x16f: {  	[tilespmem:v11+s31+$0x0] =	vst.idx.msk $0xffff, v9  }
0x170: {  	v9 =	vld [tilespmem:s12+$0x30]  }
0x171: {  	v11 =	vld [tilespmem:s19+$0x30];
	_ =	sdelay $0x1  }
0x172: {  	v63 =	vld.idx.msk [tilespmem:v10+s30+$0x0], $0xffff;
	_ =	sdelay $0x2  }
0x173: {  	v9 =	vadd.f32 v11, v9;
	_ =	sdelay $0x1  }
0x174: {  	s10 =	smul.u32 $0x1600, s29;
	v9 =	vadd.f32 v9, v63;
	_ =	sdelay $0x1  }
0x175: {  	s2 =	sshrl.u32 s2, $0x3;
	[tilespmem:s9+$0x30] =	vst v9;
	s9 =	sshrl.u32 s10, $0x2  }
0x176: {  	s2 =	sadd.s32 s7, s2;
	[tilespmem:v10+s31+$0x0] =	vst.idx.msk $0xffff, v9;
	s15 =	sadd.s32 $0x7220, s9  }
0x177: {  	[hbm4b:s2+s4] =	stream.linear.scatter [tilespmem:s15], [sflag:$0x2], $0x50, $0x38;
	[tilespmem:$0xA520] =	vst v63  }
0x178: {  	s19 =	sadd.s32 $0x9C40, s2;
	s16 =	sadd.s32 $0x7278, s9  }
0x179: {  	[hbm4b:s19+s4] =	stream.linear.scatter [tilespmem:s16], [sflag:$0x2], $0x50, $0x38;
	[tilespmem:$0xA520] =	vst v63  }
0x17a: {  	s29 =	sadd.s32 $0x13880, s2;
	s21 =	sadd.s32 $0x72D0, s9  }
0x17b: {  	[hbm4b:s29+s4] =	stream.linear.scatter [tilespmem:s21], [sflag:$0x2], $0x50, $0x38;
	[tilespmem:$0xA520] =	vst v63  }
0x17c: {  	s30 =	sadd.s32 $0x7328, s9;
	s31 =	sadd.s32 $0x1D4C0, s2  }
0x17d: {  	[hbm4b:s31+s4] =	stream.linear.scatter [tilespmem:s30], [sflag:$0x2], $0x50, $0x38;
	[tilespmem:$0xA520] =	vst v63  }
0x17e: {  	s12 =	sadd.s32 $0x7380, s9;
	s15 =	sadd.s32 $0x27100, s2  }
0x17f: {  	[hbm4b:s15+s4] =	stream.linear.scatter [tilespmem:s12], [sflag:$0x2], $0x50, $0x38;
	[tilespmem:$0xA520] =	vst v63  }
0x180: {  	s16 =	sadd.s32 $0x73D8, s9;
	s19 =	sadd.s32 $0x30D40, s2  }
0x181: {  	[hbm4b:s19+s4] =	stream.linear.scatter [tilespmem:s16], [sflag:$0x2], $0x50, $0x38;
	[tilespmem:$0xA520] =	vst v63  }
0x182: {  	s21 =	sadd.s32 $0x7430, s9;
	s29 =	sadd.s32 $0x3A980, s2  }
0x183: {  	[hbm4b:s29+s4] =	stream.linear.scatter [tilespmem:s21], [sflag:$0x2], $0x50, $0x38;
	[tilespmem:$0xA520] =	vst v63  }
0x184: {  	s30 =	sadd.s32 $0x7488, s9;
	s31 =	sadd.s32 $0x445C0, s2  }
0x185: {  	[hbm4b:s31+s4] =	stream.linear.scatter [tilespmem:s30], [sflag:$0x2], $0x50, $0x38;
	[tilespmem:$0xA520] =	vst v63  }
0x186: {  	s12 =	sadd.s32 $0x74E0, s9;
	s15 =	sadd.s32 $0x4E200, s2  }
0x187: {  	[hbm4b:s15+s4] =	stream.linear.scatter [tilespmem:s12], [sflag:$0x2], $0x50, $0x38;
	[tilespmem:$0xA520] =	vst v63  }
0x188: {  	s16 =	sadd.s32 $0x7538, s9;
	s19 =	sadd.s32 $0x57E40, s2  }
0x189: {  	[hbm4b:s19+s4] =	stream.linear.scatter [tilespmem:s16], [sflag:$0x2], $0x50, $0x38;
	[tilespmem:$0xA520] =	vst v63  }
0x18a: {  	s21 =	sadd.s32 $0x7590, s9;
	s29 =	sadd.s32 $0x61A80, s2  }
0x18b: {  	[hbm4b:s29+s4] =	stream.linear.scatter [tilespmem:s21], [sflag:$0x2], $0x50, $0x38;
	[tilespmem:$0xA520] =	vst v63  }
0x18c: {  	s30 =	sadd.s32 $0x75E8, s9;
	s31 =	sadd.s32 $0x6B6C0, s2  }
0x18d: {  	[hbm4b:s31+s4] =	stream.linear.scatter [tilespmem:s30], [sflag:$0x2], $0x50, $0x38;
	[tilespmem:$0xA520] =	vst v63  }
0x18e: {  	s15 =	sadd.s32 $0x7640, s9;
	s16 =	sadd.s32 $0x75300, s2  }
0x18f: {  	[hbm4b:s16+s4] =	stream.linear.scatter [tilespmem:s15], [sflag:$0x2], $0x50, $0x38;
	[tilespmem:$0xA520] =	vst v63  }
0x190: {  	s19 =	sadd.s32 $0x7698, s9;
	s21 =	sadd.s32 $0x7EF40, s2  }
0x191: {  	[hbm4b:s21+s4] =	stream.linear.scatter [tilespmem:s19], [sflag:$0x2], $0x50, $0x38;
	[tilespmem:$0xA520] =	vst v63  }
0x192: {  	s29 =	sadd.s32 $0x76F0, s9;
	s30 =	sadd.s32 $0x88B80, s2  }
0x193: {  	[hbm4b:s30+s4] =	stream.linear.scatter [tilespmem:s29], [sflag:$0x2], $0x50, $0x38;
	[tilespmem:$0xA520] =	vst v63  }
0x194: {  	p1 =	sgt.u32 s26, $0x7A;
	s9 =	sadd.s32 $0x7748, s9;
	s2 =	sadd.s32 $0x927C0, s2  }
0x195: {  	[hbm4b:s2+s4] =	stream.linear.scatter [tilespmem:s9], [sflag:$0x2], $0x50, $0x38;
	[tilespmem:$0xA520] =	vst v63  }
0x196: {  	s11 =	simm.s32 @!p1 $0x50;
	s2 =	sadd.s32 @!p1 $0xA0, s28;
	s9 =	sadd.s32 @!p1 $0x4E20, s0  }
0x197: {  	[tilespmem:s9], [sflag:$0x1] =	stream.indirect.gather @!p1 [hbm4b:s5+s11], $0x10, s2, s11, $0xb8;
	[tilespmem:$0xA520] =	vst v63  }
0x198: {  	s0 =	sadd.s32 @!p1 $0x5820, s0;
	s9 =	sadd.s32 @!p1 $0x27B0, s28  }
0x199: {  	[tilespmem:s0], [sflag:$0x1] =	stream.indirect.gather @!p1 [hbm4b:s6+s11], $0x10, s9, s11, $0xb8;
	[tilespmem:$0xA520] =	vst v63  }
0x19a: {  	s0 =	sadd.s32 @!p1 s8, s2  }
0x19b: {  	s2 =	sshrl.u32 @!p1 s10, $0x2;
	s0 =	sshrl.u32 @!p1 s0, $0x3  }
0x19c: {  	s10 =	simm.s32 @!p1 $0x0;
	s9 =	sadd.s32 @!p1 $0x6220, s2;
	s0 =	sadd.s32 @!p1 s1, s0  }
0x19d: {  	[tilespmem:s9], [sflag:$0x1] =	stream.linear.gather @!p1 [hbm4b:s0+s10], $0x50, $0x38;
	[tilespmem:$0xA520] =	vst v63  }
0x19e: {  	s11 =	sadd.s32 @!p1 $0x6278, s2;
	s9 =	sadd.s32 @!p1 $0x9C40, s0  }
0x19f: {  	[tilespmem:s11], [sflag:$0x1] =	stream.linear.gather @!p1 [hbm4b:s9+s10], $0x50, $0x38;
	[tilespmem:$0xA520] =	vst v63  }
0x1a0: {  	s9 =	sadd.s32 @!p1 $0x13880, s0;
	s11 =	sadd.s32 @!p1 $0x62D0, s2  }
0x1a1: {  	[tilespmem:s11], [sflag:$0x1] =	stream.linear.gather @!p1 [hbm4b:s9+s10], $0x50, $0x38;
	[tilespmem:$0xA520] =	vst v63  }
0x1a2: {  	s9 =	sadd.s32 @!p1 $0x1D4C0, s0;
	s11 =	sadd.s32 @!p1 $0x6328, s2  }
0x1a3: {  	[tilespmem:s11], [sflag:$0x1] =	stream.linear.gather @!p1 [hbm4b:s9+s10], $0x50, $0x38;
	[tilespmem:$0xA520] =	vst v63  }
0x1a4: {  	s9 =	sadd.s32 @!p1 $0x27100, s0;
	s11 =	sadd.s32 @!p1 $0x6380, s2  }
0x1a5: {  	[tilespmem:s11], [sflag:$0x1] =	stream.linear.gather @!p1 [hbm4b:s9+s10], $0x50, $0x38;
	[tilespmem:$0xA520] =	vst v63  }
0x1a6: {  	s9 =	sadd.s32 @!p1 $0x30D40, s0;
	s11 =	sadd.s32 @!p1 $0x63D8, s2  }
0x1a7: {  	[tilespmem:s11], [sflag:$0x1] =	stream.linear.gather @!p1 [hbm4b:s9+s10], $0x50, $0x38;
	[tilespmem:$0xA520] =	vst v63  }
0x1a8: {  	s9 =	sadd.s32 @!p1 $0x3A980, s0;
	s11 =	sadd.s32 @!p1 $0x6430, s2  }
0x1a9: {  	[tilespmem:s11], [sflag:$0x1] =	stream.linear.gather @!p1 [hbm4b:s9+s10], $0x50, $0x38;
	[tilespmem:$0xA520] =	vst v63  }
0x1aa: {  	s9 =	sadd.s32 @!p1 $0x445C0, s0;
	s11 =	sadd.s32 @!p1 $0x6488, s2  }
0x1ab: {  	[tilespmem:s11], [sflag:$0x1] =	stream.linear.gather @!p1 [hbm4b:s9+s10], $0x50, $0x38;
	[tilespmem:$0xA520] =	vst v63  }
0x1ac: {  	s9 =	sadd.s32 @!p1 $0x4E200, s0;
	s11 =	sadd.s32 @!p1 $0x64E0, s2  }
0x1ad: {  	[tilespmem:s11], [sflag:$0x1] =	stream.linear.gather @!p1 [hbm4b:s9+s10], $0x50, $0x38;
	[tilespmem:$0xA520] =	vst v63  }
0x1ae: {  	s9 =	sadd.s32 @!p1 $0x57E40, s0;
	s11 =	sadd.s32 @!p1 $0x6538, s2  }
0x1af: {  	[tilespmem:s11], [sflag:$0x1] =	stream.linear.gather @!p1 [hbm4b:s9+s10], $0x50, $0x38;
	[tilespmem:$0xA520] =	vst v63  }
0x1b0: {  	s9 =	sadd.s32 @!p1 $0x61A80, s0;
	s11 =	sadd.s32 @!p1 $0x6590, s2  }
0x1b1: {  	[tilespmem:s11], [sflag:$0x1] =	stream.linear.gather @!p1 [hbm4b:s9+s10], $0x50, $0x38;
	[tilespmem:$0xA520] =	vst v63  }
0x1b2: {  	s9 =	sadd.s32 @!p1 $0x6B6C0, s0;
	s11 =	sadd.s32 @!p1 $0x65E8, s2  }
0x1b3: {  	[tilespmem:s11], [sflag:$0x1] =	stream.linear.gather @!p1 [hbm4b:s9+s10], $0x50, $0x38;
	[tilespmem:$0xA520] =	vst v63  }
0x1b4: {  	s9 =	sadd.s32 @!p1 $0x75300, s0;
	s11 =	sadd.s32 @!p1 $0x6640, s2  }
0x1b5: {  	[tilespmem:s11], [sflag:$0x1] =	stream.linear.gather @!p1 [hbm4b:s9+s10], $0x50, $0x38;
	[tilespmem:$0xA520] =	vst v63  }
0x1b6: {  	s9 =	sadd.s32 @!p1 $0x7EF40, s0;
	s11 =	sadd.s32 @!p1 $0x6698, s2  }
0x1b7: {  	[tilespmem:s11], [sflag:$0x1] =	stream.linear.gather @!p1 [hbm4b:s9+s10], $0x50, $0x38;
	[tilespmem:$0xA520] =	vst v63  }
0x1b8: {  	s9 =	sadd.s32 @!p1 $0x88B80, s0;
	s11 =	sadd.s32 @!p1 $0x66F0, s2  }
0x1b9: {  	[tilespmem:s11], [sflag:$0x1] =	stream.linear.gather @!p1 [hbm4b:s9+s10], $0x50, $0x38;
	[tilespmem:$0xA520] =	vst v63  }
0x1ba: {  	s26 =	sadd.s32 $0x1, s26;
	s0 =	sadd.s32 @!p1 $0x927C0, s0;
	s2 =	sadd.s32 @!p1 $0x6748, s2  }
0x1bb: {  	[tilespmem:s2], [sflag:$0x1] =	stream.linear.gather @!p1 [hbm4b:s0+s10], $0x50, $0x38;
	[tilespmem:$0xA520] =	vst v63  }
0x1bc: {  	p1 =	sne.s32 s26, $0x7D  }
.Ltmp1:
0x1bd: {  	s31 =	sadd.s32 $0x2710, s28;
	(pc) =	sbr.rel @p1 .LBB2_2-.Ltmp1, $4  }
0x1be: {  	[spmem:s3] =	stream.indirect.scatter.add.f32 [tilespmem:s23], [sflag:$0x3], $0x10, s31, s20, $0xb8;
	[tilespmem:$0xA520] =	vst v63  }
0x1bf: {  	_ =	swait.ge [sflag:s18], $0x500  }
0x1c0: {  	[sflag:s18] =	ssyncset.done $0x0  }
0x1c1: {  	p0 =	por !p0, !p0;
	[sflag:s18] =	ssyncadd.s32 $0xFFFFFB00  }
0x1c2: {  	_ =	swait.ge [sflag:s24], $0x500  }
0x1c3: {  	[sflag:s24] =	ssyncset.done $0x0  }
0x1c4: {  	[sflag:s24] =	ssyncadd.s32 $0xFFFFFB00  }
0x1c5: {  	_ =	swait.ge [sflag:s24], $0x500  }
0x1c6: {  	[sflag:s24] =	ssyncset.done $0x0  }
0x1c7: {  	[sflag:s24] =	ssyncadd.s32 $0xFFFFFB00  }
0x1c8: {  	[bflag:$0x0] =	sbarrier.arrive $0xFFFF  }
0x1c9: {  	s0 =	rddreg [dreg:$0x8]  }
0x1ca: {  	s2 =	rddreg [dreg:$0xa]  }
0x1cb: {  	[hbm:s0], [sflag:s17] =	dma.local [spmem:s2], $0x500  }
0x1cc: {  	_ =	swait.ge [sflag:s18], $0x500  }
0x1cd: {  	s25 =	sadd.s32 $0x1, s25;
	s31 =	rddreg [dreg:$0x9]  }
0x1ce: {  	p0 =	sne.s32 s25, s31  }
.Ltmp2:
0x1cf: {  	_ = 	snop;
	(pc) =	sbr.rel @p0 .LBB2_1-.Ltmp2, $3  }
0x1d0: {  	_ =	sdelay $0x1  }
0x1d1: {  	[sflag:s18] =	ssyncset.done $0x0  }
0x1d2: {  	s16 =	smov.u32 s17;
	[sflag:s18] =	ssyncadd.s32 $0xFFFFFB00  }
0x1d3: {  	_ =	sfence.sel $0x180000  }
0x1d4: {  	[bflag:$0x0] =	sbarrier.arrive $0xFFFF  }
0x1d5: {  	_ =	strace $0x90000047  }
0x1d6: {  	s0 =	stileid.u32;
	[bflag:$0x2] =	sbarrier.arrive $0xFFFF  }
0x1d7: {  	p0 =	sne.s32 s0, $0x0;
	s0 =	rddreg [dreg:$0x4]  }
0x1d8: {  	s0 =	sadd.s32 @!p0 $0x100000, s0  }
0x1d9: {  	[sflag:s0] =	ssyncadd.tile.s32 @!p0 $0x1;
	_ =	shalt  }
.Lfunc_end2:
_tile_overlayer_lowered:
.L_overlay_start_2:
0x1da: {  	(tag) =	ssettag $0x2  }
0x1db: {  	s0 =	rddreg [dreg:$0x0];
	s2 =	stileid.u32  }
0x1dc: {  	s1 =	rddreg [dreg:$0x1];
	p0 =	sne.s32 s2, $0x0  }
0x1dd: {  	s3 =	rddreg [dreg:$0x2];
	[bflag:$0x3] =	sbarrier.arrive $0xFFFF;
	s2 =	simm.s32 @!p0 $0x1C03  }
0x1de: {  	[timem:s3], [sflag:s2] =	dma.local @!p0 [hbm:s0], s1  }
0x1df: {  	s0 =	simm.s32 @!p0 $0x3  }
0x1e0: {  	_ =	swait.ge @!p0 [sflag:s0], s1  }
0x1e1: {  	s1 =	ssub.s32 @!p0 $0x0, s1;
	[sflag:s0] =	ssyncset.done @!p0 $0x0  }
0x1e2: {  	[sflag:s0] =	ssyncadd.s32 @!p0 s1  }
0x1e3: {  	[bflag:$0x3] =	sbarrier.arrive $0xFFFF  }
0x1e4: {  	_ =	shalt  }

</sc_bundles>
